<compile_context>
chip_gen: v7x
topology: tpu7x:2x2x1
jax: 0.10.2.dev20260603
libtpu: 0.0.44.dev20260713+nightly
codegen_flags: <defaults>
</compile_context>

<pallas_src>
import functools

import jax
import jax.numpy as jnp
from jax import lax
from jax.experimental import pallas as pl
from jax.experimental.pallas import tpu as pltpu
from jax.experimental.pallas import tpu_sc as plsc

_D = 512
_G = 4096
_GW = 20
_GP = 24

_info = plsc.get_sparse_core_info()
_NC, _NS = _info.num_cores, _info.num_subcores
_NW = _NC * _NS
_GPW = _G // _NW
_CPG = 2
_RPC = _CPG * _GP
_NCHUNK = _GPW // _CPG
_NB = 4
_LOOK = 2
_NROUND = _NCHUNK // _NB


def _make_gather():
    mesh = plsc.VectorSubcoreMesh(core_axis_name="c", subcore_axis_name="s")

    @functools.partial(
        pl.kernel,
        mesh=mesh,
        out_type=jax.ShapeDtypeStruct((_G * _GP, _D), jnp.float32),
        scratch_types=[
            pltpu.VMEM((_NCHUNK, _RPC), jnp.int32),
            pltpu.VMEM((_RPC, _D), jnp.float32),
            pltpu.VMEM((_RPC, _D), jnp.float32),
            pltpu.VMEM((_RPC, _D), jnp.float32),
            pltpu.VMEM((_RPC, _D), jnp.float32),
            pltpu.SemaphoreType.DMA,
            pltpu.SemaphoreType.DMA,
            pltpu.SemaphoreType.DMA,
            pltpu.SemaphoreType.DMA,
            pltpu.SemaphoreType.DMA,
            pltpu.SemaphoreType.DMA,
            pltpu.SemaphoreType.DMA,
            pltpu.SemaphoreType.DMA,
        ],
    )
    def gather_k(idx_hbm, table_hbm, out_hbm, idx_v,
                 b0, b1, b2, b3, g0, g1, g2, g3, w0, w1, w2, w3):
        buf = [b0, b1, b2, b3]
        gsem = [g0, g1, g2, g3]
        wsem = [w0, w1, w2, w3]

        wid = lax.axis_index("s") * _NC + lax.axis_index("c")
        rbase = wid * _NCHUNK * _RPC
        pltpu.sync_copy(idx_hbm.at[pl.ds(wid * _NCHUNK, _NCHUNK)], idx_v)

        def start_gather(c, b):
            pltpu.async_copy(table_hbm.at[idx_v.at[c]], buf[b], gsem[b])

        def wait_gather(c, b):
            pltpu.make_async_copy(table_hbm.at[idx_v.at[c]], buf[b],
                                  gsem[b]).wait()

        def start_wb(c, b):
            pltpu.async_copy(buf[b], out_hbm.at[pl.ds(rbase + c * _RPC, _RPC)],
                             wsem[b])

        def wait_wb(c, b):
            pltpu.make_async_copy(buf[b],
                                  out_hbm.at[pl.ds(rbase + c * _RPC, _RPC)],
                                  wsem[b]).wait()

        start_gather(0, 0)
        start_gather(1, 1)

        for b in range(_NB):
            wait_gather(b, b)
            start_wb(b, b)
            cn = b + _LOOK
            bn = cn % _NB
            if b >= _LOOK:
                wait_wb(cn - _NB, bn)
            start_gather(cn, bn)

        def round_body(p, carry):
            for b in range(_NB):
                c = _NB * p + b
                cn = c + _LOOK
                bn = (b + _LOOK) % _NB
                wait_gather(c, b)
                start_wb(c, b)
                wait_wb(cn - _NB, bn)
                start_gather(cn, bn)
            return carry

        lax.fori_loop(1, _NROUND - 1, round_body, 0)

        for b in range(_NB):
            c = _NB * (_NROUND - 1) + b
            cn = c + _LOOK
            bn = (b + _LOOK) % _NB
            wait_gather(c, b)
            start_wb(c, b)
            if cn < _NCHUNK:
                wait_wb(cn - _NB, bn)
                start_gather(cn, bn)

        for b in range(_NB):
            wait_wb(_NCHUNK - _NB + b, b)

    return gather_k


_gather = _make_gather()


@jax.jit
def kernel(indices, weight):
    idx = indices.astype(jnp.int32)
    idx24 = jnp.concatenate([idx, idx[:, _GW - (_GP - _GW):]], axis=1)
    idx_chunks = idx24.reshape(_NW * _NCHUNK, _RPC)
    out = _gather(idx_chunks, weight)
    return out.reshape(_G, _GP, _D)[:, :_GW, :]

# --- scband reference (transcript-rebuilt; emitter-appended) ---
"""Pipeline reference for scband-my-model-61933428413823 (READ-ONLY COPY).

The authoritative reference and input builder live on the scoring server;
editing this copy changes nothing except your own understanding.
"""

import jax, jax.numpy as jnp
import numpy as np

NUM_EMBEDDINGS = 131072
EMBED_DIM = 512


def setup_inputs(seed: int = 0) -> dict:
    key = jax.random.key(seed)
    k_idx, k_w = jax.random.split(key)
    indices = jax.random.randint(k_idx, (4096, 20), 0, NUM_EMBEDDINGS, dtype=jnp.int64) if jax.config.jax_enable_x64 else jax.random.randint(k_idx, (4096, 20), 0, NUM_EMBEDDINGS, dtype=jnp.int32)
    # The torch module overwrites nn.Embedding weights with uniform(-1, 1) samples
    weight = jax.random.uniform(k_w, (NUM_EMBEDDINGS, EMBED_DIM), dtype=jnp.float32, minval=-1.0, maxval=1.0)
    return {"indices": indices, "weight": weight}


def reference(indices, weight):
    # nn.Embedding forward: pure row gather from the embedding table
    return jnp.take(weight, indices, axis=0)

if __name__ == "__main__":
    import jax
    _d = setup_inputs()
    print(jax.jit(kernel)(*tuple(_d.values())))

</pallas_src>

<mosaic_0001>
#map = affine_map<(d0, d1) -> (0, 0)>
module attributes {stable_mosaic.version = 14 : i64} {
  func.func @gather_k(%arg0: i32, %arg1: i32, %arg2: memref<2048x48xi32, #tpu.memory_space<hbm>>, %arg3: memref<131072x512xf32, #tpu.memory_space<hbm>>, %arg4: memref<98304x512xf32, #tpu.memory_space<hbm>>, %arg5: memref<64x48xi32, #tpu.memory_space<vmem>>, %arg6: memref<48x512xf32, #tpu.memory_space<vmem>>, %arg7: memref<48x512xf32, #tpu.memory_space<vmem>>, %arg8: memref<48x512xf32, #tpu.memory_space<vmem>>, %arg9: memref<48x512xf32, #tpu.memory_space<vmem>>, %arg10: memref<!tpu.dma_semaphore, #tpu.memory_space<semaphore_mem>>, %arg11: memref<!tpu.dma_semaphore, #tpu.memory_space<semaphore_mem>>, %arg12: memref<!tpu.dma_semaphore, #tpu.memory_space<semaphore_mem>>, %arg13: memref<!tpu.dma_semaphore, #tpu.memory_space<semaphore_mem>>, %arg14: memref<!tpu.dma_semaphore, #tpu.memory_space<semaphore_mem>>, %arg15: memref<!tpu.dma_semaphore, #tpu.memory_space<semaphore_mem>>, %arg16: memref<!tpu.dma_semaphore, #tpu.memory_space<semaphore_mem>>, %arg17: memref<!tpu.dma_semaphore, #tpu.memory_space<semaphore_mem>>) attributes {dimension_semantics = [#tpu.dimension_semantics<core_parallel>, #tpu.dimension_semantics<subcore_parallel>], iteration_bounds = array<i64: 2, 16>, scalar_prefetch = 0 : i64, scratch_operands = 13 : i64, tpu.core_type = #tpu.core_type<sc_vector_subcore>, window_params = [{transform_indices = #map}, {transform_indices = #map}, {transform_indices = #map}]} {
    %mul3A = arith.constant 2 : i32
    %mul3A_0 = arith.muli %arg1, %mul3A : i32
    %add3A = arith.addi %mul3A_0, %arg0 : i32
    %mul3A_1 = arith.constant 64 : i32
    %mul3A_2 = arith.muli %add3A, %mul3A_1 : i32
    %mul3A_3 = arith.constant 48 : i32
    %mul3A_4 = arith.muli %mul3A_2, %mul3A_3 : i32
    %mul3A_5 = arith.constant 64 : i32
    %mul3A_6 = arith.muli %add3A, %mul3A_5 : i32
    "tpu.region"() ({
      %run_scoped3A = tpu.sem_alloc : memref<!tpu.dma_semaphore, #tpu.memory_space<semaphore_mem>>
      %dma_start3A_218 = arith.constant 0 : i32
      %dma_start3A_219 = tpu.memref_slice %arg2[%mul3A_6, %dma_start3A_218] : memref<2048x48xi32, #tpu.memory_space<hbm>> -> memref<64x48xi32, #tpu.memory_space<hbm>>
      %dma_start3A_220 = arith.constant 0 : i32
      %dma_start3A_221 = tpu.memref_slice %arg2[%mul3A_6, %dma_start3A_220] : memref<2048x48xi32, #tpu.memory_space<hbm>> -> memref<64x48xi32, #tpu.memory_space<hbm>>
      tpu.enqueue_dma source(%dma_start3A_221 : memref<64x48xi32, #tpu.memory_space<hbm>>) target(%arg5 : memref<64x48xi32, #tpu.memory_space<vmem>>) target_semaphore(%run_scoped3A : memref<!tpu.dma_semaphore, #tpu.memory_space<semaphore_mem>>)
      %dma_wait3A_222 = arith.constant 0 : i32
      %dma_wait3A_223 = tpu.memref_slice %arg2[%mul3A_6, %dma_wait3A_222] : memref<2048x48xi32, #tpu.memory_space<hbm>> -> memref<64x48xi32, #tpu.memory_space<hbm>>
      %dma_wait3A_224 = arith.constant 0 : i32
      %dma_wait3A_225 = tpu.memref_slice %arg2[%mul3A_6, %dma_wait3A_224] : memref<2048x48xi32, #tpu.memory_space<hbm>> -> memref<64x48xi32, #tpu.memory_space<hbm>>
      tpu.wait_dma2 semaphore(%run_scoped3A : memref<!tpu.dma_semaphore, #tpu.memory_space<semaphore_mem>>) src(%dma_wait3A_225 : memref<64x48xi32, #tpu.memory_space<hbm>>) dst(%arg5 : memref<64x48xi32, #tpu.memory_space<vmem>>)
      tpu.yield
    }) : () -> ()
    %dma_start3A = arith.constant 0 : i32
    %dma_start3A_7 = arith.constant 0 : i32
    %dma_start3A_8 = tpu.memref_slice %arg5[%dma_start3A, %dma_start3A_7] : memref<64x48xi32, #tpu.memory_space<vmem>> -> memref<1x48xi32, #tpu.memory_space<vmem>>
    %dma_start3A_9 = tpu.memref_squeeze %dma_start3A_8 : memref<1x48xi32, #tpu.memory_space<vmem>> -> memref<48xi32, #tpu.memory_space<vmem>>
    %dma_start3A_10 = arith.constant 0 : i32
    %dma_start3A_11 = arith.constant 0 : i32
    %dma_start3A_12 = tpu.memref_slice %arg3[%dma_start3A_10, %dma_start3A_11] : memref<131072x512xf32, #tpu.memory_space<hbm>> -> memref<131072x512xf32, #tpu.memory_space<hbm>>
    tpu.enqueue_indirect_dma source(%dma_start3A_12 : memref<131072x512xf32, #tpu.memory_space<hbm>>) target(%arg6 : memref<48x512xf32, #tpu.memory_space<vmem>>) offsets(%dma_start3A_9 : memref<48xi32, #tpu.memory_space<vmem>>) semaphore(%arg10 : memref<!tpu.dma_semaphore, #tpu.memory_space<semaphore_mem>>)
    %dma_start3A_13 = arith.constant 1 : i32
    %dma_start3A_14 = arith.constant 0 : i32
    %dma_start3A_15 = tpu.memref_slice %arg5[%dma_start3A_13, %dma_start3A_14] : memref<64x48xi32, #tpu.memory_space<vmem>> -> memref<1x48xi32, #tpu.memory_space<vmem>>
    %dma_start3A_16 = tpu.memref_squeeze %dma_start3A_15 : memref<1x48xi32, #tpu.memory_space<vmem>> -> memref<48xi32, #tpu.memory_space<vmem>>
    %dma_start3A_17 = arith.constant 0 : i32
    %dma_start3A_18 = arith.constant 0 : i32
    %dma_start3A_19 = tpu.memref_slice %arg3[%dma_start3A_17, %dma_start3A_18] : memref<131072x512xf32, #tpu.memory_space<hbm>> -> memref<131072x512xf32, #tpu.memory_space<hbm>>
    tpu.enqueue_indirect_dma source(%dma_start3A_19 : memref<131072x512xf32, #tpu.memory_space<hbm>>) target(%arg7 : memref<48x512xf32, #tpu.memory_space<vmem>>) offsets(%dma_start3A_16 : memref<48xi32, #tpu.memory_space<vmem>>) semaphore(%arg11 : memref<!tpu.dma_semaphore, #tpu.memory_space<semaphore_mem>>)
    %dma_wait3A = arith.constant 0 : i32
    %dma_wait3A_20 = arith.constant 0 : i32
    %dma_wait3A_21 = tpu.memref_slice %arg5[%dma_wait3A, %dma_wait3A_20] : memref<64x48xi32, #tpu.memory_space<vmem>> -> memref<1x48xi32, #tpu.memory_space<vmem>>
    %dma_wait3A_22 = tpu.memref_squeeze %dma_wait3A_21 : memref<1x48xi32, #tpu.memory_space<vmem>> -> memref<48xi32, #tpu.memory_space<vmem>>
    %dma_wait3A_23 = arith.constant 0 : i32
    %dma_wait3A_24 = arith.constant 0 : i32
    %dma_wait3A_25 = tpu.memref_slice %arg3[%dma_wait3A_23, %dma_wait3A_24] : memref<131072x512xf32, #tpu.memory_space<hbm>> -> memref<131072x512xf32, #tpu.memory_space<hbm>>
    tpu.wait_indirect_dma semaphore(%arg10 : memref<!tpu.dma_semaphore, #tpu.memory_space<semaphore_mem>>) src(%dma_wait3A_25 : memref<131072x512xf32, #tpu.memory_space<hbm>>) dst(%arg6 : memref<48x512xf32, #tpu.memory_space<vmem>>)
    %add3A_26 = arith.constant 0 : i32
    %add3A_27 = arith.addi %mul3A_4, %add3A_26 : i32
    %dma_start3A_28 = arith.constant 0 : i32
    %dma_start3A_29 = tpu.memref_slice %arg4[%add3A_27, %dma_start3A_28] : memref<98304x512xf32, #tpu.memory_space<hbm>> -> memref<48x512xf32, #tpu.memory_space<hbm>>
    %dma_start3A_30 = arith.constant 0 : i32
    %dma_start3A_31 = tpu.memref_slice %arg4[%add3A_27, %dma_start3A_30] : memref<98304x512xf32, #tpu.memory_space<hbm>> -> memref<48x512xf32, #tpu.memory_space<hbm>>
    tpu.enqueue_dma source(%arg6 : memref<48x512xf32, #tpu.memory_space<vmem>>) target(%dma_start3A_31 : memref<48x512xf32, #tpu.memory_space<hbm>>) target_semaphore(%arg14 : memref<!tpu.dma_semaphore, #tpu.memory_space<semaphore_mem>>)
    %dma_start3A_32 = arith.constant 2 : i32
    %dma_start3A_33 = arith.constant 0 : i32
    %dma_start3A_34 = tpu.memref_slice %arg5[%dma_start3A_32, %dma_start3A_33] : memref<64x48xi32, #tpu.memory_space<vmem>> -> memref<1x48xi32, #tpu.memory_space<vmem>>
    %dma_start3A_35 = tpu.memref_squeeze %dma_start3A_34 : memref<1x48xi32, #tpu.memory_space<vmem>> -> memref<48xi32, #tpu.memory_space<vmem>>
    %dma_start3A_36 = arith.constant 0 : i32
    %dma_start3A_37 = arith.constant 0 : i32
    %dma_start3A_38 = tpu.memref_slice %arg3[%dma_start3A_36, %dma_start3A_37] : memref<131072x512xf32, #tpu.memory_space<hbm>> -> memref<131072x512xf32, #tpu.memory_space<hbm>>
    tpu.enqueue_indirect_dma source(%dma_start3A_38 : memref<131072x512xf32, #tpu.memory_space<hbm>>) target(%arg8 : memref<48x512xf32, #tpu.memory_space<vmem>>) offsets(%dma_start3A_35 : memref<48xi32, #tpu.memory_space<vmem>>) semaphore(%arg12 : memref<!tpu.dma_semaphore, #tpu.memory_space<semaphore_mem>>)
    %dma_wait3A_39 = arith.constant 1 : i32
    %dma_wait3A_40 = arith.constant 0 : i32
    %dma_wait3A_41 = tpu.memref_slice %arg5[%dma_wait3A_39, %dma_wait3A_40] : memref<64x48xi32, #tpu.memory_space<vmem>> -> memref<1x48xi32, #tpu.memory_space<vmem>>
    %dma_wait3A_42 = tpu.memref_squeeze %dma_wait3A_41 : memref<1x48xi32, #tpu.memory_space<vmem>> -> memref<48xi32, #tpu.memory_space<vmem>>
    %dma_wait3A_43 = arith.constant 0 : i32
    %dma_wait3A_44 = arith.constant 0 : i32
    %dma_wait3A_45 = tpu.memref_slice %arg3[%dma_wait3A_43, %dma_wait3A_44] : memref<131072x512xf32, #tpu.memory_space<hbm>> -> memref<131072x512xf32, #tpu.memory_space<hbm>>
    tpu.wait_indirect_dma semaphore(%arg11 : memref<!tpu.dma_semaphore, #tpu.memory_space<semaphore_mem>>) src(%dma_wait3A_45 : memref<131072x512xf32, #tpu.memory_space<hbm>>) dst(%arg7 : memref<48x512xf32, #tpu.memory_space<vmem>>)
    %add3A_46 = arith.constant 48 : i32
    %add3A_47 = arith.addi %mul3A_4, %add3A_46 : i32
    %dma_start3A_48 = arith.constant 0 : i32
    %dma_start3A_49 = tpu.memref_slice %arg4[%add3A_47, %dma_start3A_48] : memref<98304x512xf32, #tpu.memory_space<hbm>> -> memref<48x512xf32, #tpu.memory_space<hbm>>
    %dma_start3A_50 = arith.constant 0 : i32
    %dma_start3A_51 = tpu.memref_slice %arg4[%add3A_47, %dma_start3A_50] : memref<98304x512xf32, #tpu.memory_space<hbm>> -> memref<48x512xf32, #tpu.memory_space<hbm>>
    tpu.enqueue_dma source(%arg7 : memref<48x512xf32, #tpu.memory_space<vmem>>) target(%dma_start3A_51 : memref<48x512xf32, #tpu.memory_space<hbm>>) target_semaphore(%arg15 : memref<!tpu.dma_semaphore, #tpu.memory_space<semaphore_mem>>)
    %dma_start3A_52 = arith.constant 3 : i32
    %dma_start3A_53 = arith.constant 0 : i32
    %dma_start3A_54 = tpu.memref_slice %arg5[%dma_start3A_52, %dma_start3A_53] : memref<64x48xi32, #tpu.memory_space<vmem>> -> memref<1x48xi32, #tpu.memory_space<vmem>>
    %dma_start3A_55 = tpu.memref_squeeze %dma_start3A_54 : memref<1x48xi32, #tpu.memory_space<vmem>> -> memref<48xi32, #tpu.memory_space<vmem>>
    %dma_start3A_56 = arith.constant 0 : i32
    %dma_start3A_57 = arith.constant 0 : i32
    %dma_start3A_58 = tpu.memref_slice %arg3[%dma_start3A_56, %dma_start3A_57] : memref<131072x512xf32, #tpu.memory_space<hbm>> -> memref<131072x512xf32, #tpu.memory_space<hbm>>
    tpu.enqueue_indirect_dma source(%dma_start3A_58 : memref<131072x512xf32, #tpu.memory_space<hbm>>) target(%arg9 : memref<48x512xf32, #tpu.memory_space<vmem>>) offsets(%dma_start3A_55 : memref<48xi32, #tpu.memory_space<vmem>>) semaphore(%arg13 : memref<!tpu.dma_semaphore, #tpu.memory_space<semaphore_mem>>)
    %dma_wait3A_59 = arith.constant 2 : i32
    %dma_wait3A_60 = arith.constant 0 : i32
    %dma_wait3A_61 = tpu.memref_slice %arg5[%dma_wait3A_59, %dma_wait3A_60] : memref<64x48xi32, #tpu.memory_space<vmem>> -> memref<1x48xi32, #tpu.memory_space<vmem>>
    %dma_wait3A_62 = tpu.memref_squeeze %dma_wait3A_61 : memref<1x48xi32, #tpu.memory_space<vmem>> -> memref<48xi32, #tpu.memory_space<vmem>>
    %dma_wait3A_63 = arith.constant 0 : i32
    %dma_wait3A_64 = arith.constant 0 : i32
    %dma_wait3A_65 = tpu.memref_slice %arg3[%dma_wait3A_63, %dma_wait3A_64] : memref<131072x512xf32, #tpu.memory_space<hbm>> -> memref<131072x512xf32, #tpu.memory_space<hbm>>
    tpu.wait_indirect_dma semaphore(%arg12 : memref<!tpu.dma_semaphore, #tpu.memory_space<semaphore_mem>>) src(%dma_wait3A_65 : memref<131072x512xf32, #tpu.memory_space<hbm>>) dst(%arg8 : memref<48x512xf32, #tpu.memory_space<vmem>>)
    %add3A_66 = arith.constant 96 : i32
    %add3A_67 = arith.addi %mul3A_4, %add3A_66 : i32
    %dma_start3A_68 = arith.constant 0 : i32
    %dma_start3A_69 = tpu.memref_slice %arg4[%add3A_67, %dma_start3A_68] : memref<98304x512xf32, #tpu.memory_space<hbm>> -> memref<48x512xf32, #tpu.memory_space<hbm>>
    %dma_start3A_70 = arith.constant 0 : i32
    %dma_start3A_71 = tpu.memref_slice %arg4[%add3A_67, %dma_start3A_70] : memref<98304x512xf32, #tpu.memory_space<hbm>> -> memref<48x512xf32, #tpu.memory_space<hbm>>
    tpu.enqueue_dma source(%arg8 : memref<48x512xf32, #tpu.memory_space<vmem>>) target(%dma_start3A_71 : memref<48x512xf32, #tpu.memory_space<hbm>>) target_semaphore(%arg16 : memref<!tpu.dma_semaphore, #tpu.memory_space<semaphore_mem>>)
    %add3A_72 = arith.constant 0 : i32
    %add3A_73 = arith.addi %mul3A_4, %add3A_72 : i32
    %dma_wait3A_74 = arith.constant 0 : i32
    %dma_wait3A_75 = tpu.memref_slice %arg4[%add3A_73, %dma_wait3A_74] : memref<98304x512xf32, #tpu.memory_space<hbm>> -> memref<48x512xf32, #tpu.memory_space<hbm>>
    %dma_wait3A_76 = arith.constant 0 : i32
    %dma_wait3A_77 = tpu.memref_slice %arg4[%add3A_73, %dma_wait3A_76] : memref<98304x512xf32, #tpu.memory_space<hbm>> -> memref<48x512xf32, #tpu.memory_space<hbm>>
    tpu.wait_dma2 semaphore(%arg14 : memref<!tpu.dma_semaphore, #tpu.memory_space<semaphore_mem>>) src(%arg6 : memref<48x512xf32, #tpu.memory_space<vmem>>) dst(%dma_wait3A_77 : memref<48x512xf32, #tpu.memory_space<hbm>>)
    %dma_start3A_78 = arith.constant 4 : i32
    %dma_start3A_79 = arith.constant 0 : i32
    %dma_start3A_80 = tpu.memref_slice %arg5[%dma_start3A_78, %dma_start3A_79] : memref<64x48xi32, #tpu.memory_space<vmem>> -> memref<1x48xi32, #tpu.memory_space<vmem>>
    %dma_start3A_81 = tpu.memref_squeeze %dma_start3A_80 : memref<1x48xi32, #tpu.memory_space<vmem>> -> memref<48xi32, #tpu.memory_space<vmem>>
    %dma_start3A_82 = arith.constant 0 : i32
    %dma_start3A_83 = arith.constant 0 : i32
    %dma_start3A_84 = tpu.memref_slice %arg3[%dma_start3A_82, %dma_start3A_83] : memref<131072x512xf32, #tpu.memory_space<hbm>> -> memref<131072x512xf32, #tpu.memory_space<hbm>>
    tpu.enqueue_indirect_dma source(%dma_start3A_84 : memref<131072x512xf32, #tpu.memory_space<hbm>>) target(%arg6 : memref<48x512xf32, #tpu.memory_space<vmem>>) offsets(%dma_start3A_81 : memref<48xi32, #tpu.memory_space<vmem>>) semaphore(%arg10 : memref<!tpu.dma_semaphore, #tpu.memory_space<semaphore_mem>>)
    %dma_wait3A_85 = arith.constant 3 : i32
    %dma_wait3A_86 = arith.constant 0 : i32
    %dma_wait3A_87 = tpu.memref_slice %arg5[%dma_wait3A_85, %dma_wait3A_86] : memref<64x48xi32, #tpu.memory_space<vmem>> -> memref<1x48xi32, #tpu.memory_space<vmem>>
    %dma_wait3A_88 = tpu.memref_squeeze %dma_wait3A_87 : memref<1x48xi32, #tpu.memory_space<vmem>> -> memref<48xi32, #tpu.memory_space<vmem>>
    %dma_wait3A_89 = arith.constant 0 : i32
    %dma_wait3A_90 = arith.constant 0 : i32
    %dma_wait3A_91 = tpu.memref_slice %arg3[%dma_wait3A_89, %dma_wait3A_90] : memref<131072x512xf32, #tpu.memory_space<hbm>> -> memref<131072x512xf32, #tpu.memory_space<hbm>>
    tpu.wait_indirect_dma semaphore(%arg13 : memref<!tpu.dma_semaphore, #tpu.memory_space<semaphore_mem>>) src(%dma_wait3A_91 : memref<131072x512xf32, #tpu.memory_space<hbm>>) dst(%arg9 : memref<48x512xf32, #tpu.memory_space<vmem>>)
    %add3A_92 = arith.constant 144 : i32
    %add3A_93 = arith.addi %mul3A_4, %add3A_92 : i32
    %dma_start3A_94 = arith.constant 0 : i32
    %dma_start3A_95 = tpu.memref_slice %arg4[%add3A_93, %dma_start3A_94] : memref<98304x512xf32, #tpu.memory_space<hbm>> -> memref<48x512xf32, #tpu.memory_space<hbm>>
    %dma_start3A_96 = arith.constant 0 : i32
    %dma_start3A_97 = tpu.memref_slice %arg4[%add3A_93, %dma_start3A_96] : memref<98304x512xf32, #tpu.memory_space<hbm>> -> memref<48x512xf32, #tpu.memory_space<hbm>>
    tpu.enqueue_dma source(%arg9 : memref<48x512xf32, #tpu.memory_space<vmem>>) target(%dma_start3A_97 : memref<48x512xf32, #tpu.memory_space<hbm>>) target_semaphore(%arg17 : memref<!tpu.dma_semaphore, #tpu.memory_space<semaphore_mem>>)
    %add3A_98 = arith.constant 48 : i32
    %add3A_99 = arith.addi %mul3A_4, %add3A_98 : i32
    %dma_wait3A_100 = arith.constant 0 : i32
    %dma_wait3A_101 = tpu.memref_slice %arg4[%add3A_99, %dma_wait3A_100] : memref<98304x512xf32, #tpu.memory_space<hbm>> -> memref<48x512xf32, #tpu.memory_space<hbm>>
    %dma_wait3A_102 = arith.constant 0 : i32
    %dma_wait3A_103 = tpu.memref_slice %arg4[%add3A_99, %dma_wait3A_102] : memref<98304x512xf32, #tpu.memory_space<hbm>> -> memref<48x512xf32, #tpu.memory_space<hbm>>
    tpu.wait_dma2 semaphore(%arg15 : memref<!tpu.dma_semaphore, #tpu.memory_space<semaphore_mem>>) src(%arg7 : memref<48x512xf32, #tpu.memory_space<vmem>>) dst(%dma_wait3A_103 : memref<48x512xf32, #tpu.memory_space<hbm>>)
    %dma_start3A_104 = arith.constant 5 : i32
    %dma_start3A_105 = arith.constant 0 : i32
    %dma_start3A_106 = tpu.memref_slice %arg5[%dma_start3A_104, %dma_start3A_105] : memref<64x48xi32, #tpu.memory_space<vmem>> -> memref<1x48xi32, #tpu.memory_space<vmem>>
    %dma_start3A_107 = tpu.memref_squeeze %dma_start3A_106 : memref<1x48xi32, #tpu.memory_space<vmem>> -> memref<48xi32, #tpu.memory_space<vmem>>
    %dma_start3A_108 = arith.constant 0 : i32
    %dma_start3A_109 = arith.constant 0 : i32
    %dma_start3A_110 = tpu.memref_slice %arg3[%dma_start3A_108, %dma_start3A_109] : memref<131072x512xf32, #tpu.memory_space<hbm>> -> memref<131072x512xf32, #tpu.memory_space<hbm>>
    tpu.enqueue_indirect_dma source(%dma_start3A_110 : memref<131072x512xf32, #tpu.memory_space<hbm>>) target(%arg7 : memref<48x512xf32, #tpu.memory_space<vmem>>) offsets(%dma_start3A_107 : memref<48xi32, #tpu.memory_space<vmem>>) semaphore(%arg11 : memref<!tpu.dma_semaphore, #tpu.memory_space<semaphore_mem>>)
    %scan3A = arith.constant 0 : i32
    %scan3A_111 = arith.constant 1 : i32
    %scan3A_112 = arith.constant 14 : i32
    %scan3A_113 = arith.addi %scan3A_111, %scan3A_112 : i32
    %scan3A_114 = arith.constant 1 : i32
    scf.for %scan3A_218 = %scan3A_111 to %scan3A_113 step %scan3A_114  : i32 {
      %mul3A_219 = arith.constant 4 : i32
      %mul3A_220 = arith.muli %mul3A_219, %scan3A_218 : i32
      %add3A_221 = arith.constant 0 : i32
      %add3A_222 = arith.addi %mul3A_220, %add3A_221 : i32
      %add3A_223 = arith.constant 2 : i32
      %add3A_224 = arith.addi %add3A_222, %add3A_223 : i32
      %dma_wait3A_225 = arith.constant 0 : i32
      %dma_wait3A_226 = tpu.memref_slice %arg5[%add3A_222, %dma_wait3A_225] : memref<64x48xi32, #tpu.memory_space<vmem>> -> memref<1x48xi32, #tpu.memory_space<vmem>>
      %dma_wait3A_227 = tpu.memref_squeeze %dma_wait3A_226 : memref<1x48xi32, #tpu.memory_space<vmem>> -> memref<48xi32, #tpu.memory_space<vmem>>
      %dma_wait3A_228 = arith.constant 0 : i32
      %dma_wait3A_229 = arith.constant 0 : i32
      %dma_wait3A_230 = tpu.memref_slice %arg3[%dma_wait3A_228, %dma_wait3A_229] : memref<131072x512xf32, #tpu.memory_space<hbm>> -> memref<131072x512xf32, #tpu.memory_space<hbm>>
      tpu.wait_indirect_dma semaphore(%arg10 : memref<!tpu.dma_semaphore, #tpu.memory_space<semaphore_mem>>) src(%dma_wait3A_230 : memref<131072x512xf32, #tpu.memory_space<hbm>>) dst(%arg6 : memref<48x512xf32, #tpu.memory_space<vmem>>)
      %mul3A_231 = arith.constant 48 : i32
      %mul3A_232 = arith.muli %add3A_222, %mul3A_231 : i32
      %add3A_233 = arith.addi %mul3A_4, %mul3A_232 : i32
      %dma_start3A_234 = arith.constant 0 : i32
      %dma_start3A_235 = tpu.memref_slice %arg4[%add3A_233, %dma_start3A_234] : memref<98304x512xf32, #tpu.memory_space<hbm>> -> memref<48x512xf32, #tpu.memory_space<hbm>>
      %dma_start3A_236 = arith.constant 0 : i32
      %dma_start3A_237 = tpu.memref_slice %arg4[%add3A_233, %dma_start3A_236] : memref<98304x512xf32, #tpu.memory_space<hbm>> -> memref<48x512xf32, #tpu.memory_space<hbm>>
      tpu.enqueue_dma source(%arg6 : memref<48x512xf32, #tpu.memory_space<vmem>>) target(%dma_start3A_237 : memref<48x512xf32, #tpu.memory_space<hbm>>) target_semaphore(%arg14 : memref<!tpu.dma_semaphore, #tpu.memory_space<semaphore_mem>>)
      %sub3A = arith.constant 4 : i32
      %sub3A_238 = arith.subi %add3A_224, %sub3A : i32
      %mul3A_239 = arith.constant 48 : i32
      %mul3A_240 = arith.muli %sub3A_238, %mul3A_239 : i32
      %add3A_241 = arith.addi %mul3A_4, %mul3A_240 : i32
      %dma_wait3A_242 = arith.constant 0 : i32
      %dma_wait3A_243 = tpu.memref_slice %arg4[%add3A_241, %dma_wait3A_242] : memref<98304x512xf32, #tpu.memory_space<hbm>> -> memref<48x512xf32, #tpu.memory_space<hbm>>
      %dma_wait3A_244 = arith.constant 0 : i32
      %dma_wait3A_245 = tpu.memref_slice %arg4[%add3A_241, %dma_wait3A_244] : memref<98304x512xf32, #tpu.memory_space<hbm>> -> memref<48x512xf32, #tpu.memory_space<hbm>>
      tpu.wait_dma2 semaphore(%arg16 : memref<!tpu.dma_semaphore, #tpu.memory_space<semaphore_mem>>) src(%arg8 : memref<48x512xf32, #tpu.memory_space<vmem>>) dst(%dma_wait3A_245 : memref<48x512xf32, #tpu.memory_space<hbm>>)
      %dma_start3A_246 = arith.constant 0 : i32
      %dma_start3A_247 = tpu.memref_slice %arg5[%add3A_224, %dma_start3A_246] : memref<64x48xi32, #tpu.memory_space<vmem>> -> memref<1x48xi32, #tpu.memory_space<vmem>>
      %dma_start3A_248 = tpu.memref_squeeze %dma_start3A_247 : memref<1x48xi32, #tpu.memory_space<vmem>> -> memref<48xi32, #tpu.memory_space<vmem>>
      %dma_start3A_249 = arith.constant 0 : i32
      %dma_start3A_250 = arith.constant 0 : i32
      %dma_start3A_251 = tpu.memref_slice %arg3[%dma_start3A_249, %dma_start3A_250] : memref<131072x512xf32, #tpu.memory_space<hbm>> -> memref<131072x512xf32, #tpu.memory_space<hbm>>
      tpu.enqueue_indirect_dma source(%dma_start3A_251 : memref<131072x512xf32, #tpu.memory_space<hbm>>) target(%arg8 : memref<48x512xf32, #tpu.memory_space<vmem>>) offsets(%dma_start3A_248 : memref<48xi32, #tpu.memory_space<vmem>>) semaphore(%arg12 : memref<!tpu.dma_semaphore, #tpu.memory_space<semaphore_mem>>)
      %mul3A_252 = arith.constant 4 : i32
      %mul3A_253 = arith.muli %mul3A_252, %scan3A_218 : i32
      %add3A_254 = arith.constant 1 : i32
      %add3A_255 = arith.addi %mul3A_253, %add3A_254 : i32
      %add3A_256 = arith.constant 2 : i32
      %add3A_257 = arith.addi %add3A_255, %add3A_256 : i32
      %dma_wait3A_258 = arith.constant 0 : i32
      %dma_wait3A_259 = tpu.memref_slice %arg5[%add3A_255, %dma_wait3A_258] : memref<64x48xi32, #tpu.memory_space<vmem>> -> memref<1x48xi32, #tpu.memory_space<vmem>>
      %dma_wait3A_260 = tpu.memref_squeeze %dma_wait3A_259 : memref<1x48xi32, #tpu.memory_space<vmem>> -> memref<48xi32, #tpu.memory_space<vmem>>
      %dma_wait3A_261 = arith.constant 0 : i32
      %dma_wait3A_262 = arith.constant 0 : i32
      %dma_wait3A_263 = tpu.memref_slice %arg3[%dma_wait3A_261, %dma_wait3A_262] : memref<131072x512xf32, #tpu.memory_space<hbm>> -> memref<131072x512xf32, #tpu.memory_space<hbm>>
      tpu.wait_indirect_dma semaphore(%arg11 : memref<!tpu.dma_semaphore, #tpu.memory_space<semaphore_mem>>) src(%dma_wait3A_263 : memref<131072x512xf32, #tpu.memory_space<hbm>>) dst(%arg7 : memref<48x512xf32, #tpu.memory_space<vmem>>)
      %mul3A_264 = arith.constant 48 : i32
      %mul3A_265 = arith.muli %add3A_255, %mul3A_264 : i32
      %add3A_266 = arith.addi %mul3A_4, %mul3A_265 : i32
      %dma_start3A_267 = arith.constant 0 : i32
      %dma_start3A_268 = tpu.memref_slice %arg4[%add3A_266, %dma_start3A_267] : memref<98304x512xf32, #tpu.memory_space<hbm>> -> memref<48x512xf32, #tpu.memory_space<hbm>>
      %dma_start3A_269 = arith.constant 0 : i32
      %dma_start3A_270 = tpu.memref_slice %arg4[%add3A_266, %dma_start3A_269] : memref<98304x512xf32, #tpu.memory_space<hbm>> -> memref<48x512xf32, #tpu.memory_space<hbm>>
      tpu.enqueue_dma source(%arg7 : memref<48x512xf32, #tpu.memory_space<vmem>>) target(%dma_start3A_270 : memref<48x512xf32, #tpu.memory_space<hbm>>) target_semaphore(%arg15 : memref<!tpu.dma_semaphore, #tpu.memory_space<semaphore_mem>>)
      %sub3A_271 = arith.constant 4 : i32
      %sub3A_272 = arith.subi %add3A_257, %sub3A_271 : i32
      %mul3A_273 = arith.constant 48 : i32
      %mul3A_274 = arith.muli %sub3A_272, %mul3A_273 : i32
      %add3A_275 = arith.addi %mul3A_4, %mul3A_274 : i32
      %dma_wait3A_276 = arith.constant 0 : i32
      %dma_wait3A_277 = tpu.memref_slice %arg4[%add3A_275, %dma_wait3A_276] : memref<98304x512xf32, #tpu.memory_space<hbm>> -> memref<48x512xf32, #tpu.memory_space<hbm>>
      %dma_wait3A_278 = arith.constant 0 : i32
      %dma_wait3A_279 = tpu.memref_slice %arg4[%add3A_275, %dma_wait3A_278] : memref<98304x512xf32, #tpu.memory_space<hbm>> -> memref<48x512xf32, #tpu.memory_space<hbm>>
      tpu.wait_dma2 semaphore(%arg17 : memref<!tpu.dma_semaphore, #tpu.memory_space<semaphore_mem>>) src(%arg9 : memref<48x512xf32, #tpu.memory_space<vmem>>) dst(%dma_wait3A_279 : memref<48x512xf32, #tpu.memory_space<hbm>>)
      %dma_start3A_280 = arith.constant 0 : i32
      %dma_start3A_281 = tpu.memref_slice %arg5[%add3A_257, %dma_start3A_280] : memref<64x48xi32, #tpu.memory_space<vmem>> -> memref<1x48xi32, #tpu.memory_space<vmem>>
      %dma_start3A_282 = tpu.memref_squeeze %dma_start3A_281 : memref<1x48xi32, #tpu.memory_space<vmem>> -> memref<48xi32, #tpu.memory_space<vmem>>
      %dma_start3A_283 = arith.constant 0 : i32
      %dma_start3A_284 = arith.constant 0 : i32
      %dma_start3A_285 = tpu.memref_slice %arg3[%dma_start3A_283, %dma_start3A_284] : memref<131072x512xf32, #tpu.memory_space<hbm>> -> memref<131072x512xf32, #tpu.memory_space<hbm>>
      tpu.enqueue_indirect_dma source(%dma_start3A_285 : memref<131072x512xf32, #tpu.memory_space<hbm>>) target(%arg9 : memref<48x512xf32, #tpu.memory_space<vmem>>) offsets(%dma_start3A_282 : memref<48xi32, #tpu.memory_space<vmem>>) semaphore(%arg13 : memref<!tpu.dma_semaphore, #tpu.memory_space<semaphore_mem>>)
      %mul3A_286 = arith.constant 4 : i32
      %mul3A_287 = arith.muli %mul3A_286, %scan3A_218 : i32
      %add3A_288 = arith.constant 2 : i32
      %add3A_289 = arith.addi %mul3A_287, %add3A_288 : i32
      %add3A_290 = arith.constant 2 : i32
      %add3A_291 = arith.addi %add3A_289, %add3A_290 : i32
      %dma_wait3A_292 = arith.constant 0 : i32
      %dma_wait3A_293 = tpu.memref_slice %arg5[%add3A_289, %dma_wait3A_292] : memref<64x48xi32, #tpu.memory_space<vmem>> -> memref<1x48xi32, #tpu.memory_space<vmem>>
      %dma_wait3A_294 = tpu.memref_squeeze %dma_wait3A_293 : memref<1x48xi32, #tpu.memory_space<vmem>> -> memref<48xi32, #tpu.memory_space<vmem>>
      %dma_wait3A_295 = arith.constant 0 : i32
      %dma_wait3A_296 = arith.constant 0 : i32
      %dma_wait3A_297 = tpu.memref_slice %arg3[%dma_wait3A_295, %dma_wait3A_296] : memref<131072x512xf32, #tpu.memory_space<hbm>> -> memref<131072x512xf32, #tpu.memory_space<hbm>>
      tpu.wait_indirect_dma semaphore(%arg12 : memref<!tpu.dma_semaphore, #tpu.memory_space<semaphore_mem>>) src(%dma_wait3A_297 : memref<131072x512xf32, #tpu.memory_space<hbm>>) dst(%arg8 : memref<48x512xf32, #tpu.memory_space<vmem>>)
      %mul3A_298 = arith.constant 48 : i32
      %mul3A_299 = arith.muli %add3A_289, %mul3A_298 : i32
      %add3A_300 = arith.addi %mul3A_4, %mul3A_299 : i32
      %dma_start3A_301 = arith.constant 0 : i32
      %dma_start3A_302 = tpu.memref_slice %arg4[%add3A_300, %dma_start3A_301] : memref<98304x512xf32, #tpu.memory_space<hbm>> -> memref<48x512xf32, #tpu.memory_space<hbm>>
      %dma_start3A_303 = arith.constant 0 : i32
      %dma_start3A_304 = tpu.memref_slice %arg4[%add3A_300, %dma_start3A_303] : memref<98304x512xf32, #tpu.memory_space<hbm>> -> memref<48x512xf32, #tpu.memory_space<hbm>>
      tpu.enqueue_dma source(%arg8 : memref<48x512xf32, #tpu.memory_space<vmem>>) target(%dma_start3A_304 : memref<48x512xf32, #tpu.memory_space<hbm>>) target_semaphore(%arg16 : memref<!tpu.dma_semaphore, #tpu.memory_space<semaphore_mem>>)
      %sub3A_305 = arith.constant 4 : i32
      %sub3A_306 = arith.subi %add3A_291, %sub3A_305 : i32
      %mul3A_307 = arith.constant 48 : i32
      %mul3A_308 = arith.muli %sub3A_306, %mul3A_307 : i32
      %add3A_309 = arith.addi %mul3A_4, %mul3A_308 : i32
      %dma_wait3A_310 = arith.constant 0 : i32
      %dma_wait3A_311 = tpu.memref_slice %arg4[%add3A_309, %dma_wait3A_310] : memref<98304x512xf32, #tpu.memory_space<hbm>> -> memref<48x512xf32, #tpu.memory_space<hbm>>
      %dma_wait3A_312 = arith.constant 0 : i32
      %dma_wait3A_313 = tpu.memref_slice %arg4[%add3A_309, %dma_wait3A_312] : memref<98304x512xf32, #tpu.memory_space<hbm>> -> memref<48x512xf32, #tpu.memory_space<hbm>>
      tpu.wait_dma2 semaphore(%arg14 : memref<!tpu.dma_semaphore, #tpu.memory_space<semaphore_mem>>) src(%arg6 : memref<48x512xf32, #tpu.memory_space<vmem>>) dst(%dma_wait3A_313 : memref<48x512xf32, #tpu.memory_space<hbm>>)
      %dma_start3A_314 = arith.constant 0 : i32
      %dma_start3A_315 = tpu.memref_slice %arg5[%add3A_291, %dma_start3A_314] : memref<64x48xi32, #tpu.memory_space<vmem>> -> memref<1x48xi32, #tpu.memory_space<vmem>>
      %dma_start3A_316 = tpu.memref_squeeze %dma_start3A_315 : memref<1x48xi32, #tpu.memory_space<vmem>> -> memref<48xi32, #tpu.memory_space<vmem>>
      %dma_start3A_317 = arith.constant 0 : i32
      %dma_start3A_318 = arith.constant 0 : i32
      %dma_start3A_319 = tpu.memref_slice %arg3[%dma_start3A_317, %dma_start3A_318] : memref<131072x512xf32, #tpu.memory_space<hbm>> -> memref<131072x512xf32, #tpu.memory_space<hbm>>
      tpu.enqueue_indirect_dma source(%dma_start3A_319 : memref<131072x512xf32, #tpu.memory_space<hbm>>) target(%arg6 : memref<48x512xf32, #tpu.memory_space<vmem>>) offsets(%dma_start3A_316 : memref<48xi32, #tpu.memory_space<vmem>>) semaphore(%arg10 : memref<!tpu.dma_semaphore, #tpu.memory_space<semaphore_mem>>)
      %mul3A_320 = arith.constant 4 : i32
      %mul3A_321 = arith.muli %mul3A_320, %scan3A_218 : i32
      %add3A_322 = arith.constant 3 : i32
      %add3A_323 = arith.addi %mul3A_321, %add3A_322 : i32
      %add3A_324 = arith.constant 2 : i32
      %add3A_325 = arith.addi %add3A_323, %add3A_324 : i32
      %dma_wait3A_326 = arith.constant 0 : i32
      %dma_wait3A_327 = tpu.memref_slice %arg5[%add3A_323, %dma_wait3A_326] : memref<64x48xi32, #tpu.memory_space<vmem>> -> memref<1x48xi32, #tpu.memory_space<vmem>>
      %dma_wait3A_328 = tpu.memref_squeeze %dma_wait3A_327 : memref<1x48xi32, #tpu.memory_space<vmem>> -> memref<48xi32, #tpu.memory_space<vmem>>
      %dma_wait3A_329 = arith.constant 0 : i32
      %dma_wait3A_330 = arith.constant 0 : i32
      %dma_wait3A_331 = tpu.memref_slice %arg3[%dma_wait3A_329, %dma_wait3A_330] : memref<131072x512xf32, #tpu.memory_space<hbm>> -> memref<131072x512xf32, #tpu.memory_space<hbm>>
      tpu.wait_indirect_dma semaphore(%arg13 : memref<!tpu.dma_semaphore, #tpu.memory_space<semaphore_mem>>) src(%dma_wait3A_331 : memref<131072x512xf32, #tpu.memory_space<hbm>>) dst(%arg9 : memref<48x512xf32, #tpu.memory_space<vmem>>)
      %mul3A_332 = arith.constant 48 : i32
      %mul3A_333 = arith.muli %add3A_323, %mul3A_332 : i32
      %add3A_334 = arith.addi %mul3A_4, %mul3A_333 : i32
      %dma_start3A_335 = arith.constant 0 : i32
      %dma_start3A_336 = tpu.memref_slice %arg4[%add3A_334, %dma_start3A_335] : memref<98304x512xf32, #tpu.memory_space<hbm>> -> memref<48x512xf32, #tpu.memory_space<hbm>>
      %dma_start3A_337 = arith.constant 0 : i32
      %dma_start3A_338 = tpu.memref_slice %arg4[%add3A_334, %dma_start3A_337] : memref<98304x512xf32, #tpu.memory_space<hbm>> -> memref<48x512xf32, #tpu.memory_space<hbm>>
      tpu.enqueue_dma source(%arg9 : memref<48x512xf32, #tpu.memory_space<vmem>>) target(%dma_start3A_338 : memref<48x512xf32, #tpu.memory_space<hbm>>) target_semaphore(%arg17 : memref<!tpu.dma_semaphore, #tpu.memory_space<semaphore_mem>>)
      %sub3A_339 = arith.constant 4 : i32
      %sub3A_340 = arith.subi %add3A_325, %sub3A_339 : i32
      %mul3A_341 = arith.constant 48 : i32
      %mul3A_342 = arith.muli %sub3A_340, %mul3A_341 : i32
      %add3A_343 = arith.addi %mul3A_4, %mul3A_342 : i32
      %dma_wait3A_344 = arith.constant 0 : i32
      %dma_wait3A_345 = tpu.memref_slice %arg4[%add3A_343, %dma_wait3A_344] : memref<98304x512xf32, #tpu.memory_space<hbm>> -> memref<48x512xf32, #tpu.memory_space<hbm>>
      %dma_wait3A_346 = arith.constant 0 : i32
      %dma_wait3A_347 = tpu.memref_slice %arg4[%add3A_343, %dma_wait3A_346] : memref<98304x512xf32, #tpu.memory_space<hbm>> -> memref<48x512xf32, #tpu.memory_space<hbm>>
      tpu.wait_dma2 semaphore(%arg15 : memref<!tpu.dma_semaphore, #tpu.memory_space<semaphore_mem>>) src(%arg7 : memref<48x512xf32, #tpu.memory_space<vmem>>) dst(%dma_wait3A_347 : memref<48x512xf32, #tpu.memory_space<hbm>>)
      %dma_start3A_348 = arith.constant 0 : i32
      %dma_start3A_349 = tpu.memref_slice %arg5[%add3A_325, %dma_start3A_348] : memref<64x48xi32, #tpu.memory_space<vmem>> -> memref<1x48xi32, #tpu.memory_space<vmem>>
      %dma_start3A_350 = tpu.memref_squeeze %dma_start3A_349 : memref<1x48xi32, #tpu.memory_space<vmem>> -> memref<48xi32, #tpu.memory_space<vmem>>
      %dma_start3A_351 = arith.constant 0 : i32
      %dma_start3A_352 = arith.constant 0 : i32
      %dma_start3A_353 = tpu.memref_slice %arg3[%dma_start3A_351, %dma_start3A_352] : memref<131072x512xf32, #tpu.memory_space<hbm>> -> memref<131072x512xf32, #tpu.memory_space<hbm>>
      tpu.enqueue_indirect_dma source(%dma_start3A_353 : memref<131072x512xf32, #tpu.memory_space<hbm>>) target(%arg7 : memref<48x512xf32, #tpu.memory_space<vmem>>) offsets(%dma_start3A_350 : memref<48xi32, #tpu.memory_space<vmem>>) semaphore(%arg11 : memref<!tpu.dma_semaphore, #tpu.memory_space<semaphore_mem>>)
    }
    %scan3A_115 = arith.constant 14 : i32
    %dma_wait3A_116 = arith.constant 60 : i32
    %dma_wait3A_117 = arith.constant 0 : i32
    %dma_wait3A_118 = tpu.memref_slice %arg5[%dma_wait3A_116, %dma_wait3A_117] : memref<64x48xi32, #tpu.memory_space<vmem>> -> memref<1x48xi32, #tpu.memory_space<vmem>>
    %dma_wait3A_119 = tpu.memref_squeeze %dma_wait3A_118 : memref<1x48xi32, #tpu.memory_space<vmem>> -> memref<48xi32, #tpu.memory_space<vmem>>
    %dma_wait3A_120 = arith.constant 0 : i32
    %dma_wait3A_121 = arith.constant 0 : i32
    %dma_wait3A_122 = tpu.memref_slice %arg3[%dma_wait3A_120, %dma_wait3A_121] : memref<131072x512xf32, #tpu.memory_space<hbm>> -> memref<131072x512xf32, #tpu.memory_space<hbm>>
    tpu.wait_indirect_dma semaphore(%arg10 : memref<!tpu.dma_semaphore, #tpu.memory_space<semaphore_mem>>) src(%dma_wait3A_122 : memref<131072x512xf32, #tpu.memory_space<hbm>>) dst(%arg6 : memref<48x512xf32, #tpu.memory_space<vmem>>)
    %add3A_123 = arith.constant 2880 : i32
    %add3A_124 = arith.addi %mul3A_4, %add3A_123 : i32
    %dma_start3A_125 = arith.constant 0 : i32
    %dma_start3A_126 = tpu.memref_slice %arg4[%add3A_124, %dma_start3A_125] : memref<98304x512xf32, #tpu.memory_space<hbm>> -> memref<48x512xf32, #tpu.memory_space<hbm>>
    %dma_start3A_127 = arith.constant 0 : i32
    %dma_start3A_128 = tpu.memref_slice %arg4[%add3A_124, %dma_start3A_127] : memref<98304x512xf32, #tpu.memory_space<hbm>> -> memref<48x512xf32, #tpu.memory_space<hbm>>
    tpu.enqueue_dma source(%arg6 : memref<48x512xf32, #tpu.memory_space<vmem>>) target(%dma_start3A_128 : memref<48x512xf32, #tpu.memory_space<hbm>>) target_semaphore(%arg14 : memref<!tpu.dma_semaphore, #tpu.memory_space<semaphore_mem>>)
    %add3A_129 = arith.constant 2784 : i32
    %add3A_130 = arith.addi %mul3A_4, %add3A_129 : i32
    %dma_wait3A_131 = arith.constant 0 : i32
    %dma_wait3A_132 = tpu.memref_slice %arg4[%add3A_130, %dma_wait3A_131] : memref<98304x512xf32, #tpu.memory_space<hbm>> -> memref<48x512xf32, #tpu.memory_space<hbm>>
    %dma_wait3A_133 = arith.constant 0 : i32
    %dma_wait3A_134 = tpu.memref_slice %arg4[%add3A_130, %dma_wait3A_133] : memref<98304x512xf32, #tpu.memory_space<hbm>> -> memref<48x512xf32, #tpu.memory_space<hbm>>
    tpu.wait_dma2 semaphore(%arg16 : memref<!tpu.dma_semaphore, #tpu.memory_space<semaphore_mem>>) src(%arg8 : memref<48x512xf32, #tpu.memory_space<vmem>>) dst(%dma_wait3A_134 : memref<48x512xf32, #tpu.memory_space<hbm>>)
    %dma_start3A_135 = arith.constant 62 : i32
    %dma_start3A_136 = arith.constant 0 : i32
    %dma_start3A_137 = tpu.memref_slice %arg5[%dma_start3A_135, %dma_start3A_136] : memref<64x48xi32, #tpu.memory_space<vmem>> -> memref<1x48xi32, #tpu.memory_space<vmem>>
    %dma_start3A_138 = tpu.memref_squeeze %dma_start3A_137 : memref<1x48xi32, #tpu.memory_space<vmem>> -> memref<48xi32, #tpu.memory_space<vmem>>
    %dma_start3A_139 = arith.constant 0 : i32
    %dma_start3A_140 = arith.constant 0 : i32
    %dma_start3A_141 = tpu.memref_slice %arg3[%dma_start3A_139, %dma_start3A_140] : memref<131072x512xf32, #tpu.memory_space<hbm>> -> memref<131072x512xf32, #tpu.memory_space<hbm>>
    tpu.enqueue_indirect_dma source(%dma_start3A_141 : memref<131072x512xf32, #tpu.memory_space<hbm>>) target(%arg8 : memref<48x512xf32, #tpu.memory_space<vmem>>) offsets(%dma_start3A_138 : memref<48xi32, #tpu.memory_space<vmem>>) semaphore(%arg12 : memref<!tpu.dma_semaphore, #tpu.memory_space<semaphore_mem>>)
    %dma_wait3A_142 = arith.constant 61 : i32
    %dma_wait3A_143 = arith.constant 0 : i32
    %dma_wait3A_144 = tpu.memref_slice %arg5[%dma_wait3A_142, %dma_wait3A_143] : memref<64x48xi32, #tpu.memory_space<vmem>> -> memref<1x48xi32, #tpu.memory_space<vmem>>
    %dma_wait3A_145 = tpu.memref_squeeze %dma_wait3A_144 : memref<1x48xi32, #tpu.memory_space<vmem>> -> memref<48xi32, #tpu.memory_space<vmem>>
    %dma_wait3A_146 = arith.constant 0 : i32
    %dma_wait3A_147 = arith.constant 0 : i32
    %dma_wait3A_148 = tpu.memref_slice %arg3[%dma_wait3A_146, %dma_wait3A_147] : memref<131072x512xf32, #tpu.memory_space<hbm>> -> memref<131072x512xf32, #tpu.memory_space<hbm>>
    tpu.wait_indirect_dma semaphore(%arg11 : memref<!tpu.dma_semaphore, #tpu.memory_space<semaphore_mem>>) src(%dma_wait3A_148 : memref<131072x512xf32, #tpu.memory_space<hbm>>) dst(%arg7 : memref<48x512xf32, #tpu.memory_space<vmem>>)
    %add3A_149 = arith.constant 2928 : i32
    %add3A_150 = arith.addi %mul3A_4, %add3A_149 : i32
    %dma_start3A_151 = arith.constant 0 : i32
    %dma_start3A_152 = tpu.memref_slice %arg4[%add3A_150, %dma_start3A_151] : memref<98304x512xf32, #tpu.memory_space<hbm>> -> memref<48x512xf32, #tpu.memory_space<hbm>>
    %dma_start3A_153 = arith.constant 0 : i32
    %dma_start3A_154 = tpu.memref_slice %arg4[%add3A_150, %dma_start3A_153] : memref<98304x512xf32, #tpu.memory_space<hbm>> -> memref<48x512xf32, #tpu.memory_space<hbm>>
    tpu.enqueue_dma source(%arg7 : memref<48x512xf32, #tpu.memory_space<vmem>>) target(%dma_start3A_154 : memref<48x512xf32, #tpu.memory_space<hbm>>) target_semaphore(%arg15 : memref<!tpu.dma_semaphore, #tpu.memory_space<semaphore_mem>>)
    %add3A_155 = arith.constant 2832 : i32
    %add3A_156 = arith.addi %mul3A_4, %add3A_155 : i32
    %dma_wait3A_157 = arith.constant 0 : i32
    %dma_wait3A_158 = tpu.memref_slice %arg4[%add3A_156, %dma_wait3A_157] : memref<98304x512xf32, #tpu.memory_space<hbm>> -> memref<48x512xf32, #tpu.memory_space<hbm>>
    %dma_wait3A_159 = arith.constant 0 : i32
    %dma_wait3A_160 = tpu.memref_slice %arg4[%add3A_156, %dma_wait3A_159] : memref<98304x512xf32, #tpu.memory_space<hbm>> -> memref<48x512xf32, #tpu.memory_space<hbm>>
    tpu.wait_dma2 semaphore(%arg17 : memref<!tpu.dma_semaphore, #tpu.memory_space<semaphore_mem>>) src(%arg9 : memref<48x512xf32, #tpu.memory_space<vmem>>) dst(%dma_wait3A_160 : memref<48x512xf32, #tpu.memory_space<hbm>>)
    %dma_start3A_161 = arith.constant 63 : i32
    %dma_start3A_162 = arith.constant 0 : i32
    %dma_start3A_163 = tpu.memref_slice %arg5[%dma_start3A_161, %dma_start3A_162] : memref<64x48xi32, #tpu.memory_space<vmem>> -> memref<1x48xi32, #tpu.memory_space<vmem>>
    %dma_start3A_164 = tpu.memref_squeeze %dma_start3A_163 : memref<1x48xi32, #tpu.memory_space<vmem>> -> memref<48xi32, #tpu.memory_space<vmem>>
    %dma_start3A_165 = arith.constant 0 : i32
    %dma_start3A_166 = arith.constant 0 : i32
    %dma_start3A_167 = tpu.memref_slice %arg3[%dma_start3A_165, %dma_start3A_166] : memref<131072x512xf32, #tpu.memory_space<hbm>> -> memref<131072x512xf32, #tpu.memory_space<hbm>>
    tpu.enqueue_indirect_dma source(%dma_start3A_167 : memref<131072x512xf32, #tpu.memory_space<hbm>>) target(%arg9 : memref<48x512xf32, #tpu.memory_space<vmem>>) offsets(%dma_start3A_164 : memref<48xi32, #tpu.memory_space<vmem>>) semaphore(%arg13 : memref<!tpu.dma_semaphore, #tpu.memory_space<semaphore_mem>>)
    %dma_wait3A_168 = arith.constant 62 : i32
    %dma_wait3A_169 = arith.constant 0 : i32
    %dma_wait3A_170 = tpu.memref_slice %arg5[%dma_wait3A_168, %dma_wait3A_169] : memref<64x48xi32, #tpu.memory_space<vmem>> -> memref<1x48xi32, #tpu.memory_space<vmem>>
    %dma_wait3A_171 = tpu.memref_squeeze %dma_wait3A_170 : memref<1x48xi32, #tpu.memory_space<vmem>> -> memref<48xi32, #tpu.memory_space<vmem>>
    %dma_wait3A_172 = arith.constant 0 : i32
    %dma_wait3A_173 = arith.constant 0 : i32
    %dma_wait3A_174 = tpu.memref_slice %arg3[%dma_wait3A_172, %dma_wait3A_173] : memref<131072x512xf32, #tpu.memory_space<hbm>> -> memref<131072x512xf32, #tpu.memory_space<hbm>>
    tpu.wait_indirect_dma semaphore(%arg12 : memref<!tpu.dma_semaphore, #tpu.memory_space<semaphore_mem>>) src(%dma_wait3A_174 : memref<131072x512xf32, #tpu.memory_space<hbm>>) dst(%arg8 : memref<48x512xf32, #tpu.memory_space<vmem>>)
    %add3A_175 = arith.constant 2976 : i32
    %add3A_176 = arith.addi %mul3A_4, %add3A_175 : i32
    %dma_start3A_177 = arith.constant 0 : i32
    %dma_start3A_178 = tpu.memref_slice %arg4[%add3A_176, %dma_start3A_177] : memref<98304x512xf32, #tpu.memory_space<hbm>> -> memref<48x512xf32, #tpu.memory_space<hbm>>
    %dma_start3A_179 = arith.constant 0 : i32
    %dma_start3A_180 = tpu.memref_slice %arg4[%add3A_176, %dma_start3A_179] : memref<98304x512xf32, #tpu.memory_space<hbm>> -> memref<48x512xf32, #tpu.memory_space<hbm>>
    tpu.enqueue_dma source(%arg8 : memref<48x512xf32, #tpu.memory_space<vmem>>) target(%dma_start3A_180 : memref<48x512xf32, #tpu.memory_space<hbm>>) target_semaphore(%arg16 : memref<!tpu.dma_semaphore, #tpu.memory_space<semaphore_mem>>)
    %dma_wait3A_181 = arith.constant 63 : i32
    %dma_wait3A_182 = arith.constant 0 : i32
    %dma_wait3A_183 = tpu.memref_slice %arg5[%dma_wait3A_181, %dma_wait3A_182] : memref<64x48xi32, #tpu.memory_space<vmem>> -> memref<1x48xi32, #tpu.memory_space<vmem>>
    %dma_wait3A_184 = tpu.memref_squeeze %dma_wait3A_183 : memref<1x48xi32, #tpu.memory_space<vmem>> -> memref<48xi32, #tpu.memory_space<vmem>>
    %dma_wait3A_185 = arith.constant 0 : i32
    %dma_wait3A_186 = arith.constant 0 : i32
    %dma_wait3A_187 = tpu.memref_slice %arg3[%dma_wait3A_185, %dma_wait3A_186] : memref<131072x512xf32, #tpu.memory_space<hbm>> -> memref<131072x512xf32, #tpu.memory_space<hbm>>
    tpu.wait_indirect_dma semaphore(%arg13 : memref<!tpu.dma_semaphore, #tpu.memory_space<semaphore_mem>>) src(%dma_wait3A_187 : memref<131072x512xf32, #tpu.memory_space<hbm>>) dst(%arg9 : memref<48x512xf32, #tpu.memory_space<vmem>>)
    %add3A_188 = arith.constant 3024 : i32
    %add3A_189 = arith.addi %mul3A_4, %add3A_188 : i32
    %dma_start3A_190 = arith.constant 0 : i32
    %dma_start3A_191 = tpu.memref_slice %arg4[%add3A_189, %dma_start3A_190] : memref<98304x512xf32, #tpu.memory_space<hbm>> -> memref<48x512xf32, #tpu.memory_space<hbm>>
    %dma_start3A_192 = arith.constant 0 : i32
    %dma_start3A_193 = tpu.memref_slice %arg4[%add3A_189, %dma_start3A_192] : memref<98304x512xf32, #tpu.memory_space<hbm>> -> memref<48x512xf32, #tpu.memory_space<hbm>>
    tpu.enqueue_dma source(%arg9 : memref<48x512xf32, #tpu.memory_space<vmem>>) target(%dma_start3A_193 : memref<48x512xf32, #tpu.memory_space<hbm>>) target_semaphore(%arg17 : memref<!tpu.dma_semaphore, #tpu.memory_space<semaphore_mem>>)
    %add3A_194 = arith.constant 2880 : i32
    %add3A_195 = arith.addi %mul3A_4, %add3A_194 : i32
    %dma_wait3A_196 = arith.constant 0 : i32
    %dma_wait3A_197 = tpu.memref_slice %arg4[%add3A_195, %dma_wait3A_196] : memref<98304x512xf32, #tpu.memory_space<hbm>> -> memref<48x512xf32, #tpu.memory_space<hbm>>
    %dma_wait3A_198 = arith.constant 0 : i32
    %dma_wait3A_199 = tpu.memref_slice %arg4[%add3A_195, %dma_wait3A_198] : memref<98304x512xf32, #tpu.memory_space<hbm>> -> memref<48x512xf32, #tpu.memory_space<hbm>>
    tpu.wait_dma2 semaphore(%arg14 : memref<!tpu.dma_semaphore, #tpu.memory_space<semaphore_mem>>) src(%arg6 : memref<48x512xf32, #tpu.memory_space<vmem>>) dst(%dma_wait3A_199 : memref<48x512xf32, #tpu.memory_space<hbm>>)
    %add3A_200 = arith.constant 2928 : i32
    %add3A_201 = arith.addi %mul3A_4, %add3A_200 : i32
    %dma_wait3A_202 = arith.constant 0 : i32
    %dma_wait3A_203 = tpu.memref_slice %arg4[%add3A_201, %dma_wait3A_202] : memref<98304x512xf32, #tpu.memory_space<hbm>> -> memref<48x512xf32, #tpu.memory_space<hbm>>
    %dma_wait3A_204 = arith.constant 0 : i32
    %dma_wait3A_205 = tpu.memref_slice %arg4[%add3A_201, %dma_wait3A_204] : memref<98304x512xf32, #tpu.memory_space<hbm>> -> memref<48x512xf32, #tpu.memory_space<hbm>>
    tpu.wait_dma2 semaphore(%arg15 : memref<!tpu.dma_semaphore, #tpu.memory_space<semaphore_mem>>) src(%arg7 : memref<48x512xf32, #tpu.memory_space<vmem>>) dst(%dma_wait3A_205 : memref<48x512xf32, #tpu.memory_space<hbm>>)
    %add3A_206 = arith.constant 2976 : i32
    %add3A_207 = arith.addi %mul3A_4, %add3A_206 : i32
    %dma_wait3A_208 = arith.constant 0 : i32
    %dma_wait3A_209 = tpu.memref_slice %arg4[%add3A_207, %dma_wait3A_208] : memref<98304x512xf32, #tpu.memory_space<hbm>> -> memref<48x512xf32, #tpu.memory_space<hbm>>
    %dma_wait3A_210 = arith.constant 0 : i32
    %dma_wait3A_211 = tpu.memref_slice %arg4[%add3A_207, %dma_wait3A_210] : memref<98304x512xf32, #tpu.memory_space<hbm>> -> memref<48x512xf32, #tpu.memory_space<hbm>>
    tpu.wait_dma2 semaphore(%arg16 : memref<!tpu.dma_semaphore, #tpu.memory_space<semaphore_mem>>) src(%arg8 : memref<48x512xf32, #tpu.memory_space<vmem>>) dst(%dma_wait3A_211 : memref<48x512xf32, #tpu.memory_space<hbm>>)
    %add3A_212 = arith.constant 3024 : i32
    %add3A_213 = arith.addi %mul3A_4, %add3A_212 : i32
    %dma_wait3A_214 = arith.constant 0 : i32
    %dma_wait3A_215 = tpu.memref_slice %arg4[%add3A_213, %dma_wait3A_214] : memref<98304x512xf32, #tpu.memory_space<hbm>> -> memref<48x512xf32, #tpu.memory_space<hbm>>
    %dma_wait3A_216 = arith.constant 0 : i32
    %dma_wait3A_217 = tpu.memref_slice %arg4[%add3A_213, %dma_wait3A_216] : memref<98304x512xf32, #tpu.memory_space<hbm>> -> memref<48x512xf32, #tpu.memory_space<hbm>>
    tpu.wait_dma2 semaphore(%arg17 : memref<!tpu.dma_semaphore, #tpu.memory_space<semaphore_mem>>) src(%arg9 : memref<48x512xf32, #tpu.memory_space<vmem>>) dst(%dma_wait3A_217 : memref<48x512xf32, #tpu.memory_space<hbm>>)
    return
  }
}

</mosaic_0001>

<sc_bundles>
// kernel: kernel.3.cloned.1.call-start
scs
__scs_entry_jumppad:
0x0: {  	(pc) =	sbr.rel $0x88, $3  }
0x1: {  	(tag) =	ssettag $0x0;
	lr =	simm.s32 $0x1  }
0x2: {  	[smem:$0x3F9F] =	sst lr;
	_ =	strace $0xD0000000  }
0x3: {  	_ = 	snop  }
0x4: {  	_ = 	snop  }
0x5: {  	_ = 	snop  }
0x6: {  	_ = 	snop  }
0x7: {  	_ = 	snop  }
__scs_overlays_trampoline_lowered:
0x8: {  	[smem:$0x3FAE] =	sst s0  }
0x9: {  	[smem:$0x3FAF] =	sst s1  }
0xa: {  	[smem:$0x3FB0] =	sst s2  }
0xb: {  	[smem:$0x3FB1] =	sst s3  }
0xc: {  	[smem:$0x3FB2] =	sst s4  }
0xd: {  	[smem:$0x3FB3] =	sst s5  }
0xe: {  	[smem:$0x3FB4] =	sst s6  }
0xf: {  	[smem:$0x3FB5] =	sst s7  }
0x10: {  	[smem:$0x3FB6] =	sst s8  }
0x11: {  	[smem:$0x3FB7] =	sst s9;
	s0 =	simm.s32 @!p0 $0x0  }
0x12: {  	s1 =	sld [smem:$0x3F9D];
	s0 =	simm.s32 @p0 $0x1  }
0x13: {  	[smem:$0x3FB8] =	sst s0;
	s0 =	simm.s32 @!p1 $0x0  }
0x14: {  	s2 =	sld [smem:$0x3F9C];
	s0 =	simm.s32 @p1 $0x1  }
0x15: {  	[smem:$0x3FB9] =	sst s0;
	s0 =	simm.s32 @!p2 $0x0  }
0x16: {  	s3 =	sld [smem:$0x3FDB];
	s0 =	simm.s32 @p2 $0x1  }
0x17: {  	s4 =	simm.s32 $0x1BF5;
	[smem:$0x3FBB] =	sst s0  }
0x18: {  	s0 =	sld [smem:$0x3F9E];
	_ =	swait.ge [sflag:s4], $0x0  }
0x19: {  	s7 =	sld [smem:$0x3F9F]  }
0x1a: {  	s8 =	sadd.s32 $0xFFFFE003, lr  }
0x1b: {  	s9 =	sadd.s32 $0xFFFFFEF7, lr;
	s5 =	simm.s32 $0xFFFFFFFF;
	p2 =	slt.u32 s8, $0xFFFFF086  }
0x1c: {  	p1 =	slt.u32 s9, $0xF7A;
	s5 =	simm.s32 @!p2 $0x0  }
0x1d: {  	s5 =	simm.s32 @p1 $0x1;
	p0 =	seq.s32 s7, s2  }
0x1e: {  	s7 =	smul.u32 @!p0 $0xF7A, s2;
	p2 =	seq.s32 @!p0 s5, $0x0  }
0x1f: {  	s9 =	smul.u32 $0xF7A, s1;
	s8 =	simm.s32 @!p0 $0x1BF5;
	p2 =	por !p2, p0  }
0x20: {  	[sflag:s8] =	ssyncset.s32 @!p0 $0xFFFFF086;
	s6 =	sadd.s32 @!p0 s3, s7;
	s7 =	simm.s32 @!p0 $0x108  }
0x21: {  	s3 =	sadd.s32 s3, s9;
	s6 =	sadd.s32 @!p0 $0x88, s6;
	s7 =	simm.s32 @p2 $0x1082  }
0x22: {  	[simem:s7], [sflag:s8] =	dma.local @!p0 [hbm:s6], $0xF7A  }
0x23: {  	s9 =	sor.u32 $0xD0000000, s2;
	s6 =	simm.s32 $0x108;
	_ =	swait.ge @!p0 [sflag:s8], $0x0  }
0x24: {  	s3 =	sadd.s32 $0x88, s3;
	s6 =	simm.s32 @!p1 $0x1082;
	[sflag:s4] =	ssyncset.s32 $0xFFFFF086  }
0x25: {  	[simem:s6], [sflag:s4] =	dma.local [hbm:s3], $0xF7A  }
0x26: {  	[smem:$0x3F9F] =	sst s1;
	(tag) =	ssettag s2;
	_ =	strace s9  }
0x27: {  	s1 =	sld [smem:$0x3FAF]  }
0x28: {  	s2 =	sld [smem:$0x3FB0]  }
0x29: {  	s4 =	sld [smem:$0x3FB2]  }
0x2a: {  	p0 =	seq.s32 s5, $0x0;
	s5 =	sld [smem:$0x3FB3]  }
0x2b: {  	s6 =	sld [smem:$0x3FB4]  }
0x2c: {  	s7 =	sld [smem:$0x3FB5]  }
0x2d: {  	s3 =	simm.s32 $0x108;
	s8 =	sld [smem:$0x3FB6]  }
0x2e: {  	s3 =	simm.s32 @!p0 $0x1082;
	s9 =	sld [smem:$0x3FB7]  }
0x2f: {  	lr =	sadd.s32 s0, s3;
	s0 =	sld [smem:$0x3FAE]  }
0x30: {  	s3 =	sld [smem:$0x3FB1]  }
0x31: {  	[smem:$0x3FBA] =	sst s10  }
0x32: {  	s10 =	sld [smem:$0x3FB8];
	_ =	sdelay $0x3  }
0x33: {  	p0 =	seq.s32 s10, $0x1;
	s10 =	sld [smem:$0x3FBA];
	_ =	sdelay $0x3  }
0x34: {  	[smem:$0x3FBA] =	sst s10  }
0x35: {  	s10 =	sld [smem:$0x3FB9];
	_ =	sdelay $0x3  }
0x36: {  	p1 =	seq.s32 s10, $0x1;
	s10 =	sld [smem:$0x3FBA];
	_ =	sdelay $0x3  }
0x37: {  	[smem:$0x3FBA] =	sst s10  }
0x38: {  	s10 =	sld [smem:$0x3FBB]  }
0x39: {  	_ = 	snop;
	(pc) =	sbr.ind lr, $3  }
0x3a: {  	_ = 	snop  }
0x3b: {  	_ = 	snop  }
0x3c: {  	p2 =	seq.s32 s10, $0x1;
	s10 =	sld [smem:$0x3FBA]  }
0x3d: {  	_ =	shalt  }
0x3e: {  	_ =	shalt  }
0x3f: {  	_ =	shalt  }
0x40: {  	_ =	shalt  }
0x41: {  	_ =	shalt  }
0x42: {  	_ =	shalt  }
0x43: {  	_ =	shalt  }
0x44: {  	_ =	shalt  }
0x45: {  	_ =	shalt  }
0x46: {  	_ =	shalt  }
0x47: {  	_ =	shalt  }
0x48: {  	_ =	shalt  }
0x49: {  	_ =	shalt  }
0x4a: {  	_ =	shalt  }
0x4b: {  	_ =	shalt  }
0x4c: {  	_ =	shalt  }
0x4d: {  	_ =	shalt  }
0x4e: {  	_ =	shalt  }
0x4f: {  	_ =	shalt  }
0x50: {  	_ =	shalt  }
0x51: {  	_ =	shalt  }
0x52: {  	_ =	shalt  }
0x53: {  	_ =	shalt  }
0x54: {  	_ =	shalt  }
0x55: {  	_ =	shalt  }
0x56: {  	_ =	shalt  }
0x57: {  	_ =	shalt  }
0x58: {  	_ =	shalt  }
0x59: {  	_ =	shalt  }
0x5a: {  	_ =	shalt  }
0x5b: {  	_ =	shalt  }
0x5c: {  	_ =	shalt  }
0x5d: {  	_ =	shalt  }
0x5e: {  	_ =	shalt  }
0x5f: {  	_ =	shalt  }
0x60: {  	_ =	shalt  }
0x61: {  	_ =	shalt  }
0x62: {  	_ =	shalt  }
0x63: {  	_ =	shalt  }
0x64: {  	_ =	shalt  }
0x65: {  	_ =	shalt  }
0x66: {  	_ =	shalt  }
0x67: {  	_ =	shalt  }
0x68: {  	_ =	shalt  }
0x69: {  	_ =	shalt  }
0x6a: {  	_ =	shalt  }
0x6b: {  	_ =	shalt  }
0x6c: {  	_ =	shalt  }
0x6d: {  	_ =	shalt  }
0x6e: {  	_ =	shalt  }
0x6f: {  	_ =	shalt  }
0x70: {  	_ =	shalt  }
0x71: {  	_ =	shalt  }
0x72: {  	_ =	shalt  }
0x73: {  	_ =	shalt  }
0x74: {  	_ =	shalt  }
0x75: {  	_ =	shalt  }
0x76: {  	_ =	shalt  }
0x77: {  	_ =	shalt  }
0x78: {  	_ =	shalt  }
0x79: {  	_ =	shalt  }
0x7a: {  	_ =	shalt  }
0x7b: {  	_ =	shalt  }
0x7c: {  	_ =	shalt  }
0x7d: {  	_ =	shalt  }
0x7e: {  	_ =	shalt  }
0x7f: {  	_ =	shalt  }
0x80: {  	_ =	shalt  }
0x81: {  	_ =	shalt  }
0x82: {  	_ =	shalt  }
0x83: {  	_ =	shalt  }
0x84: {  	_ =	shalt  }
0x85: {  	_ =	shalt  }
0x86: {  	_ =	shalt  }
0x87: {  	_ =	shalt  }
.Lfunc_end0:
.L_simem_size_0:
called_computation.1_lowered:
.L_overlay_start_0:
0x88: {  	s2 =	sld [smem:$0x3FD9]  }
0x89: {  	s3 =	sld [smem:$0x3FFE];
	_ =	sdelay $0x1  }
0x8a: {  	s1 =	srdreg.scid  }
0x8b: {  	s0 =	sand.u32 $0x1, s1  }
0x8c: {  	s17 =	sshll.u32 s0, $0xA;
	s2 =	sadd.s32 s3, s2  }
0x8d: {  	s2 =	sadd.s32 s2, s17  }
0x8e: {  	[smem:$0x3FC6] =	sst s2  }
0x8f: {  	_ = 	snop  }
0x90: {  	s2 =	sld [smem:$0x3FC8]  }
0x91: {  	s18 =	sld [smem:$0x3FD0];
	(tm) =	ssettm $0x1  }
0x92: {  	s4 =	sld [smem:$0x3FFB];
	_ =	sdelay $0x3  }
0x93: {  	_ =	strace s4  }
0x94: {  	s4 =	sld [smem:$0x3FFC];
	_ =	sdelay $0x3  }
0x95: {  	_ =	strace s4  }
0x96: {  	s4 =	sld [smem:$0x3FFD];
	_ =	sdelay $0x3  }
0x97: {  	_ =	strace s4  }
0x98: {  	_ =	strace $0x8FFFFFFF  }
0x99: {  	s19 =	sld [smem:$0x3FDB];
	_ =	sdelay $0x1  }
0x9a: {  	s5 =	simm.s32 $_scs_section_size  }
0x9b: {  	s6 =	simm.s32 $_size__tile_overlayer_lowered;
	s7 =	simm.s32 $_tile_overlayer_lowered  }
0x9c: {  	s22 =	simm.s32 $0x1BFF;
	s21 =	sshll.u32 s7, $0x1;
	s4 =	sadd.s32 s5, s19  }
0x9d: {  	s8 =	simm.s32 $0x0;
	s20 =	sshll.u32 s6, $0x1;
	s6 =	sadd.s32 s21, s4  }
0x9e: {  	[timem:s8], [sflag:s22] =	dma.local [hbm:s6], s20  }
0x9f: {  	_ =	swait.ge [sflag:s22], s20  }
0xa0: {  	s5 =	ssub.s32 $0x0, s20;
	[sflag:s22] =	ssyncset.done $0x0  }
0xa1: {  	[sflag:s22] =	ssyncadd.s32 s5;
	_ =	sdelay $0x1  }
0xa2: {  	s23 =	simm.s32 $0x1B8B  }
0xa3: {  	_ =	swait.ge [sflag:s23], $0x1  }
0xa4: {  	[sflag:s23] =	ssyncset.done $0x0  }
0xa5: {  	s25 =	simm.s32 $0x1B8E;
	s24 =	sld [smem:$0x3FFE];
	[sflag:s23] =	ssyncadd.s32 $0xFFFFFFFF  }
0xa6: {  	s26 =	simm.s32 $execute0_lowered;
	[smem:$0x3FD2] =	sst s25  }
0xa7: {  	s6 =	sshll.u32 s26, $0x1;
	_ =	strace $0x80000046;
	[dreg:$0x1] =	wrdreg $0xFFFFFFFF  }
0xa8: {  	s28 =	simm.s32 $_size_execute0_lowered;
	s4 =	sadd.s32 s4, s6;
	[dreg:$0x0] =	wrdreg $0x0  }
0xa9: {  	s6 =	sshll.u32 s28, $0x1;
	[dreg:$0x2] =	wrdreg s4  }
0xaa: {  	[dreg:$0x3] =	wrdreg s6  }
0xab: {  	[dreg:$0x4] =	wrdreg $0xC0  }
0xac: {  	_ =	task [dreg:s8], $0x5FFFF  }
0xad: {  	[dreg:$0x1] =	wrdreg $0xFFFFFFFF  }
0xae: {  	[dreg:$0x0] =	wrdreg $0x60  }
0xaf: {  	[dreg:$0x2] =	wrdreg s18  }
0xb0: {  	[dreg:$0x3] =	wrdreg s2  }
0xb1: {  	[dreg:$0x4] =	wrdreg s24  }
0xb2: {  	[dreg:$0x5] =	wrdreg $0x9  }
0xb3: {  	_ =	task.clear_ibuf [dreg:s8], $0x6FFFF;
	_ =	strace $0x90000046  }
0xb4: {  	s29 =	simm.s32 $0x9;
	_ =	strace $0x80000048  }
0xb5: {  	_ =	swait.ge [sflag:s29], $0x1  }
0xb6: {  	[sflag:s29] =	ssyncadd.s32 $0xFFFFFFFF  }
0xb7: {  	_ =	strace $0x90000048  }
0xb8: {  	_ =	sfence  }
0xb9: {  	s30 =	sld [smem:$0x0];
	_ =	sdelay $0x2  }
0xba: {  	s31 =	sshll.u32 s1, $0xD;
	s1 =	sshrl.u32 s1, $0x2  }
0xbb: {  	s3 =	sand.u32 $0x4000, s31;
	s1 =	sadd.s32 s1, s30  }
0xbc: {  	s0 =	sor.u32 s3, s0;
	s1 =	sshll.u32 s1, $0x11  }
0xbd: {  	s0 =	sor.u32 s1, s0  }
0xbe: {  	s0 =	sadd.s32 $0x8F2B, s0  }
0xbf: {  	[sflag:s0] =	ssyncadd.remote.s32 $0x1  }
0xc0: {  	_ =	sfence.sel $0xFFFF  }
0xc1: {  	[dreg:$0x0] =	wrdreg $0xFFFFFFFF;
	(pc) =	sbr.abs _section_cstart, $3  }
0xc2: {  	[dreg:$0x1] =	wrdreg $0xFFFFFFFF  }
0xc3: {  	_ =	task.clear_ibuf [dreg:s8], $0x2FFFF;
	_ =	strace $0x9FFFFFFF  }
0xc4: {  	(tm) =	ssettm $0x7FFFFFFF  }
0xc5: {  	_ =	shalt  }
tec
execute0_lowered:
.L_overlay_start_1:
0x0: {  	(tag) =	ssettag $0x1  }
0x1: {  	s0 =	rddreg [dreg:$0x0]  }
0x2: {  	s2 =	rddreg [dreg:$0x1]  }
0x3: {  	s1 =	rddreg [dreg:$0x2];
	s3 =	srdreg.scid  }
0x4: {  	s9 =	stileid.u32;
	s30 =	simm.s32 $0x4800;
	s10 =	simm.s32 $0x8800  }
0x5: {  	s11 =	simm.s32 $0x9000;
	s12 =	simm.s32 $0x9800;
	s28 =	simm.s32 $0xA000  }
0x6: {  	s29 =	simm.s32 $0xA800;
	s31 =	simm.s32 $0xB000;
	s14 =	simm.s32 $0xD000  }
0x7: {  	s13 =	simm.s32 $0x1;
	s15 =	simm.s32 $0x5;
	s16 =	simm.s32 $0x0  }
0x8: {  	s4 =	sand.u32 $0x1, s3;
	s5 =	sshll.u32 s9, $0x1;
	s3 =	simm.s32 $0x0  }
0x9: {  	s1 =	sadd.s32 $0x800, s1;
	s21 =	smul.u32 $0x60000, s9;
	s9 =	simm.s32 $0x7800  }
0xa: {  	s6 =	ssub.s32 $0x2, s4;
	s5 =	sor.u32 s4, s5;
	s4 =	smul.u32 $0x30000, s4  }
0xb: {  	[smem:$0x7FF] =	sst s3;
	s7 =	sshrl.u32 s6, $0x1;
	s8 =	smul.u32 $0x30000, s5  }
0xc: {  	_ =	strace $0x80000047;
	s17 =	sshll.u32 s5, $0xA;
	s5 =	smul.u32 $0x180000, s5  }
0xd: {  	s7 =	ssub.s32 s6, s7;
	s0 =	sadd.s32 s0, s17;
	s6 =	sadd.s32 $0x100, s2  }
0xe: {  	s17 =	simm.s32 $0x4;
	s8 =	sadd.s32 s1, s8;
	[dreg:$0x6] =	wrdreg s0  }
0xf: {  	s20 =	sshrl.u32 s5, $0x3;
	s26 =	smax.u32 s7, $0x1;
	s5 =	simm.s32 $0x6000  }
0x10: {  	s7 =	simm.s32 $0x6800;
	s18 =	sadd.s32 $0xC00, s8;
	[dreg:$0x5] =	wrdreg s8  }
0x11: {  	s19 =	sadd.s32 $0x1800, s8;
	s8 =	sadd.s32 $0x2400, s8;
	[dreg:$0xe] =	wrdreg s26  }
0x12: {  	s0 =	sadd.s32 s1, s20;
	s1 =	sadd.s32 s21, s1;
	[dreg:$0x7] =	wrdreg s18  }
0x13: {  	s26 =	simm.s32 $0x2;
	s20 =	simm.s32 $0x8;
	[dreg:$0x8] =	wrdreg s19  }
0x14: {  	[dreg:$0x9] =	wrdreg s8;
	s22 =	sadd.s32 $0x2D000, s0;
	s23 =	sadd.s32 $0x2DC00, s0  }
0x15: {  	s24 =	sadd.s32 $0x2E800, s0;
	s0 =	sadd.s32 $0x2F400, s0;
	[dreg:$0xa] =	wrdreg s22  }
0x16: {  	s25 =	sadd.s32 s4, s1;
	s1 =	simm.s32 $0x5800;
	[dreg:$0xb] =	wrdreg s23  }
0x17: {  	s8 =	simm.s32 $0x7000;
	s4 =	simm.s32 $0x3;
	[dreg:$0xc] =	wrdreg s24  }
0x18: {  	v2 =	vlaneseq.u32;
	s18 =	simm.s32 $0x6;
	s19 =	simm.s32 $0x7;
	[dreg:$0xd] =	wrdreg s0  }
0x19: {  	vm0 =	vmmov $0xffff;
	v1 =	vshrl.u32 v2, $0x3;
	[dreg:$0x4] =	wrdreg s25;
	s24 =	simm.s32 $0x2800;
	s22 =	simm.s32 $0x3000  }
0x1a: {  	v0 =	vand.u32 $0x7, v2;
	v2 =	vor.u32 $0x8, v2;
	v1 =	vmul.u32 $0x8, v1;
	s23 =	simm.s32 $0x3800;
	s25 =	simm.s32 $0x4000;
	s0 =	simm.s32 $0x5000  }
.LBB2_1:
0x1b: {  	[dreg:$0xf] =	wrdreg s16  }
0x1c: {  	s21 =	rddreg [dreg:$0x6];
	s16 =	simm.s32 $0x9  }
0x1d: {  	[tilespmem:s3], [sflag:$0x9] =	stream.linear.gather [hbm4b:s21+s3], $0x2000, $0x38;
	[tilespmem:$0x1A000] =	vst v63  }
0x1e: {  	_ =	swait.ge [sflag:s16], $0x2000  }
0x1f: {  	[sflag:s16] =	ssyncset.done $0x0  }
0x20: {  	[sflag:s16] =	ssyncadd.s32 $0xFFFFE000  }
0x21: {  	v3 =	vld [tilespmem:$0x0];
	_ =	sdelay $0x4  }
0x22: {  	v4 =	vshll.u32 v3, $0x2  }
0x23: {  	v3 =	vand.u32 $0x7, v3;
	v4 =	vand.u32 $0xFFFFFFE0, v4  }
0x24: {  	v3 =	vor.u32 v3, v4  }
0x25: {  	v4 =	vperm.xlane v3, v0;
	_ =	sdelay $0x1  }
0x26: {  	v4 =	vadd.s32 v1, v4;
	_ =	sdelay $0x1  }
0x27: {  	v3 =	vperm.xlane v3, v2;
	_ =	sdelay $0x1  }
0x28: {  	s21 =	simm.s32 $0x2000;
	v3 =	vadd.s32 v1, v3  }
0x29: {  	[tilespmem:s21], [sflag:$0x1] =	stream.indirect_vreg.gather [hbm4b:s2+s3], $0x80, v4, vm0, $0xb8;
	[tilespmem:$0x1A000] =	vst v63  }
0x2a: {  	_ = 	snop  }
0x2b: {  	[tilespmem:s24], [sflag:$0x1] =	stream.indirect_vreg.gather [hbm4b:s6+s3], $0x80, v4, vm0, $0xb8;
	[tilespmem:$0x1A000] =	vst v63  }
0x2c: {  	_ = 	snop  }
0x2d: {  	[tilespmem:s22], [sflag:$0x1] =	stream.indirect_vreg.gather [hbm4b:s2+s3], $0x80, v3, vm0, $0xb8;
	[tilespmem:$0x1A000] =	vst v63  }
0x2e: {  	_ = 	snop  }
0x2f: {  	[tilespmem:s23], [sflag:$0x1] =	stream.indirect_vreg.gather [hbm4b:s6+s3], $0x80, v3, vm0, $0xb8;
	[tilespmem:$0x1A000] =	vst v63  }
0x30: {  	v3 =	vld [tilespmem:$0x10];
	_ =	sdelay $0x4  }
0x31: {  	v47 =	vshll.u32 v3, $0x2  }
0x32: {  	v3 =	vand.u32 $0x7, v3;
	v4 =	vand.u32 $0xFFFFFFE0, v47  }
0x33: {  	v3 =	vor.u32 v3, v4  }
0x34: {  	v4 =	vperm.xlane v3, v0;
	_ =	sdelay $0x1  }
0x35: {  	v4 =	vadd.s32 v1, v4;
	_ =	sdelay $0x1  }
0x36: {  	v3 =	vperm.xlane v3, v2;
	_ =	sdelay $0x1  }
0x37: {  	v3 =	vadd.s32 v1, v3  }
0x38: {  	[tilespmem:s25], [sflag:$0x1] =	stream.indirect_vreg.gather [hbm4b:s2+s3], $0x80, v4, vm0, $0xb8;
	[tilespmem:$0x1A000] =	vst v63  }
0x39: {  	_ = 	snop  }
0x3a: {  	[tilespmem:s30], [sflag:$0x1] =	stream.indirect_vreg.gather [hbm4b:s6+s3], $0x80, v4, vm0, $0xb8;
	[tilespmem:$0x1A000] =	vst v63  }
0x3b: {  	_ = 	snop  }
0x3c: {  	[tilespmem:s0], [sflag:$0x1] =	stream.indirect_vreg.gather [hbm4b:s2+s3], $0x80, v3, vm0, $0xb8;
	[tilespmem:$0x1A000] =	vst v63  }
0x3d: {  	_ = 	snop  }
0x3e: {  	[tilespmem:s1], [sflag:$0x1] =	stream.indirect_vreg.gather [hbm4b:s6+s3], $0x80, v3, vm0, $0xb8;
	[tilespmem:$0x1A000] =	vst v63  }
0x3f: {  	v3 =	vld [tilespmem:$0x20];
	_ =	sdelay $0x4  }
0x40: {  	v48 =	vshll.u32 v3, $0x2  }
0x41: {  	v3 =	vand.u32 $0x7, v3;
	v4 =	vand.u32 $0xFFFFFFE0, v48  }
0x42: {  	v3 =	vor.u32 v3, v4  }
0x43: {  	v4 =	vperm.xlane v3, v0;
	_ =	sdelay $0x1  }
0x44: {  	v4 =	vadd.s32 v1, v4;
	_ =	sdelay $0x1  }
0x45: {  	v3 =	vperm.xlane v3, v2;
	_ =	sdelay $0x1  }
0x46: {  	v3 =	vadd.s32 v1, v3  }
0x47: {  	[tilespmem:s5], [sflag:$0x1] =	stream.indirect_vreg.gather [hbm4b:s2+s3], $0x80, v4, vm0, $0xb8;
	[tilespmem:$0x1A000] =	vst v63  }
0x48: {  	_ = 	snop  }
0x49: {  	[tilespmem:s7], [sflag:$0x1] =	stream.indirect_vreg.gather [hbm4b:s6+s3], $0x80, v4, vm0, $0xb8;
	[tilespmem:$0x1A000] =	vst v63  }
0x4a: {  	_ = 	snop  }
0x4b: {  	[tilespmem:s8], [sflag:$0x1] =	stream.indirect_vreg.gather [hbm4b:s2+s3], $0x80, v3, vm0, $0xb8;
	[tilespmem:$0x1A000] =	vst v63  }
0x4c: {  	_ = 	snop  }
0x4d: {  	[tilespmem:s9], [sflag:$0x1] =	stream.indirect_vreg.gather [hbm4b:s6+s3], $0x80, v3, vm0, $0xb8;
	[tilespmem:$0x1A000] =	vst v63  }
0x4e: {  	v3 =	vld [tilespmem:$0x80];
	_ =	sdelay $0x4  }
0x4f: {  	v49 =	vshll.u32 v3, $0x2  }
0x50: {  	v3 =	vand.u32 $0x7, v3;
	v4 =	vand.u32 $0xFFFFFFE0, v49  }
0x51: {  	v3 =	vor.u32 v3, v4  }
0x52: {  	v4 =	vperm.xlane v3, v0;
	_ =	sdelay $0x1  }
0x53: {  	v4 =	vadd.s32 v1, v4;
	_ =	sdelay $0x1  }
0x54: {  	v3 =	vperm.xlane v3, v2;
	_ =	sdelay $0x1  }
0x55: {  	s21 =	simm.s32 $0x8000;
	v3 =	vadd.s32 v1, v3  }
0x56: {  	[tilespmem:s21], [sflag:$0x2] =	stream.indirect_vreg.gather [hbm4b:s2+s3], $0x80, v4, vm0, $0xb8;
	[tilespmem:$0x1A000] =	vst v63  }
0x57: {  	_ = 	snop  }
0x58: {  	[tilespmem:s10], [sflag:$0x2] =	stream.indirect_vreg.gather [hbm4b:s6+s3], $0x80, v4, vm0, $0xb8;
	[tilespmem:$0x1A000] =	vst v63  }
0x59: {  	_ = 	snop  }
0x5a: {  	[tilespmem:s11], [sflag:$0x2] =	stream.indirect_vreg.gather [hbm4b:s2+s3], $0x80, v3, vm0, $0xb8;
	[tilespmem:$0x1A000] =	vst v63  }
0x5b: {  	_ = 	snop  }
0x5c: {  	[tilespmem:s12], [sflag:$0x2] =	stream.indirect_vreg.gather [hbm4b:s6+s3], $0x80, v3, vm0, $0xb8;
	[tilespmem:$0x1A000] =	vst v63  }
0x5d: {  	v3 =	vld [tilespmem:$0x90];
	_ =	sdelay $0x4  }
0x5e: {  	v50 =	vshll.u32 v3, $0x2  }
0x5f: {  	v3 =	vand.u32 $0x7, v3;
	v4 =	vand.u32 $0xFFFFFFE0, v50  }
0x60: {  	v3 =	vor.u32 v3, v4  }
0x61: {  	v4 =	vperm.xlane v3, v0;
	_ =	sdelay $0x1  }
0x62: {  	v4 =	vadd.s32 v1, v4;
	_ =	sdelay $0x1  }
0x63: {  	v3 =	vperm.xlane v3, v2;
	_ =	sdelay $0x1  }
0x64: {  	v3 =	vadd.s32 v1, v3  }
0x65: {  	[tilespmem:s28], [sflag:$0x2] =	stream.indirect_vreg.gather [hbm4b:s2+s3], $0x80, v4, vm0, $0xb8;
	[tilespmem:$0x1A000] =	vst v63  }
0x66: {  	_ = 	snop  }
0x67: {  	[tilespmem:s29], [sflag:$0x2] =	stream.indirect_vreg.gather [hbm4b:s6+s3], $0x80, v4, vm0, $0xb8;
	[tilespmem:$0x1A000] =	vst v63  }
0x68: {  	_ = 	snop  }
0x69: {  	[tilespmem:s31], [sflag:$0x2] =	stream.indirect_vreg.gather [hbm4b:s2+s3], $0x80, v3, vm0, $0xb8;
	[tilespmem:$0x1A000] =	vst v63  }
0x6a: {  	s21 =	simm.s32 $0xB800  }
0x6b: {  	[tilespmem:s21], [sflag:$0x2] =	stream.indirect_vreg.gather [hbm4b:s6+s3], $0x80, v3, vm0, $0xb8;
	[tilespmem:$0x1A000] =	vst v63  }
0x6c: {  	v3 =	vld [tilespmem:$0xA0];
	_ =	sdelay $0x4  }
0x6d: {  	v51 =	vshll.u32 v3, $0x2  }
0x6e: {  	v3 =	vand.u32 $0x7, v3;
	v4 =	vand.u32 $0xFFFFFFE0, v51  }
0x6f: {  	v3 =	vor.u32 v3, v4  }
0x70: {  	v4 =	vperm.xlane v3, v0;
	_ =	sdelay $0x1  }
0x71: {  	v4 =	vadd.s32 v1, v4;
	_ =	sdelay $0x1  }
0x72: {  	v3 =	vperm.xlane v3, v2;
	_ =	sdelay $0x1  }
0x73: {  	s21 =	simm.s32 $0xC000;
	v3 =	vadd.s32 v1, v3  }
0x74: {  	[tilespmem:s21], [sflag:$0x2] =	stream.indirect_vreg.gather [hbm4b:s2+s3], $0x80, v4, vm0, $0xb8;
	[tilespmem:$0x1A000] =	vst v63  }
0x75: {  	s21 =	simm.s32 $0xC800  }
0x76: {  	[tilespmem:s21], [sflag:$0x2] =	stream.indirect_vreg.gather [hbm4b:s6+s3], $0x80, v4, vm0, $0xb8;
	[tilespmem:$0x1A000] =	vst v63  }
0x77: {  	_ = 	snop  }
0x78: {  	[tilespmem:s14], [sflag:$0x2] =	stream.indirect_vreg.gather [hbm4b:s2+s3], $0x80, v3, vm0, $0xb8;
	[tilespmem:$0x1A000] =	vst v63  }
0x79: {  	s21 =	simm.s32 $0xD800  }
0x7a: {  	[tilespmem:s21], [sflag:$0x2] =	stream.indirect_vreg.gather [hbm4b:s6+s3], $0x80, v3, vm0, $0xb8;
	[tilespmem:$0x1A000] =	vst v63  }
0x7b: {  	_ =	swait.ge [sflag:s13], $0x6000  }
0x7c: {  	[sflag:s13] =	ssyncset.done $0x0  }
0x7d: {  	s16 =	simm.s32 $0x2000;
	s14 =	rddreg [dreg:$0x5];
	[sflag:s13] =	ssyncadd.s32 $0xFFFFA000  }
0x7e: {  	[hbm4b:s14+s3] =	stream.linear.scatter [tilespmem:s16], [sflag:$0x5], $0x6000, $0x38;
	[tilespmem:$0x1A000] =	vst v63  }
0x7f: {  	v3 =	vld [tilespmem:$0x100];
	_ =	sdelay $0x4  }
0x80: {  	v52 =	vshll.u32 v3, $0x2  }
0x81: {  	v3 =	vand.u32 $0x7, v3;
	v4 =	vand.u32 $0xFFFFFFE0, v52  }
0x82: {  	v3 =	vor.u32 v3, v4  }
0x83: {  	v4 =	vperm.xlane v3, v0;
	_ =	sdelay $0x1  }
0x84: {  	v4 =	vadd.s32 v1, v4;
	_ =	sdelay $0x1  }
0x85: {  	v3 =	vperm.xlane v3, v2;
	_ =	sdelay $0x1  }
0x86: {  	s14 =	simm.s32 $0xE000;
	v3 =	vadd.s32 v1, v3  }
0x87: {  	[tilespmem:s14], [sflag:$0x3] =	stream.indirect_vreg.gather [hbm4b:s2+s3], $0x80, v4, vm0, $0xb8;
	[tilespmem:$0x1A000] =	vst v63  }
0x88: {  	s16 =	simm.s32 $0xE800  }
0x89: {  	[tilespmem:s16], [sflag:$0x3] =	stream.indirect_vreg.gather [hbm4b:s6+s3], $0x80, v4, vm0, $0xb8;
	[tilespmem:$0x1A000] =	vst v63  }
0x8a: {  	s16 =	simm.s32 $0xF000  }
0x8b: {  	[tilespmem:s16], [sflag:$0x3] =	stream.indirect_vreg.gather [hbm4b:s2+s3], $0x80, v3, vm0, $0xb8;
	[tilespmem:$0x1A000] =	vst v63  }
0x8c: {  	s16 =	simm.s32 $0xF800  }
0x8d: {  	[tilespmem:s16], [sflag:$0x3] =	stream.indirect_vreg.gather [hbm4b:s6+s3], $0x80, v3, vm0, $0xb8;
	[tilespmem:$0x1A000] =	vst v63  }
0x8e: {  	v3 =	vld [tilespmem:$0x110];
	_ =	sdelay $0x4  }
0x8f: {  	v53 =	vshll.u32 v3, $0x2  }
0x90: {  	v3 =	vand.u32 $0x7, v3;
	v4 =	vand.u32 $0xFFFFFFE0, v53  }
0x91: {  	v3 =	vor.u32 v3, v4  }
0x92: {  	v4 =	vperm.xlane v3, v0;
	_ =	sdelay $0x1  }
0x93: {  	v4 =	vadd.s32 v1, v4;
	_ =	sdelay $0x1  }
0x94: {  	v3 =	vperm.xlane v3, v2;
	_ =	sdelay $0x1  }
0x95: {  	s16 =	simm.s32 $0x10000;
	v3 =	vadd.s32 v1, v3  }
0x96: {  	[tilespmem:s16], [sflag:$0x3] =	stream.indirect_vreg.gather [hbm4b:s2+s3], $0x80, v4, vm0, $0xb8;
	[tilespmem:$0x1A000] =	vst v63  }
0x97: {  	s16 =	simm.s32 $0x10800  }
0x98: {  	[tilespmem:s16], [sflag:$0x3] =	stream.indirect_vreg.gather [hbm4b:s6+s3], $0x80, v4, vm0, $0xb8;
	[tilespmem:$0x1A000] =	vst v63  }
0x99: {  	s16 =	simm.s32 $0x11000  }
0x9a: {  	[tilespmem:s16], [sflag:$0x3] =	stream.indirect_vreg.gather [hbm4b:s2+s3], $0x80, v3, vm0, $0xb8;
	[tilespmem:$0x1A000] =	vst v63  }
0x9b: {  	s16 =	simm.s32 $0x11800  }
0x9c: {  	[tilespmem:s16], [sflag:$0x3] =	stream.indirect_vreg.gather [hbm4b:s6+s3], $0x80, v3, vm0, $0xb8;
	[tilespmem:$0x1A000] =	vst v63  }
0x9d: {  	v3 =	vld [tilespmem:$0x120];
	_ =	sdelay $0x4  }
0x9e: {  	v54 =	vshll.u32 v3, $0x2  }
0x9f: {  	v3 =	vand.u32 $0x7, v3;
	v4 =	vand.u32 $0xFFFFFFE0, v54  }
0xa0: {  	v3 =	vor.u32 v3, v4  }
0xa1: {  	v4 =	vperm.xlane v3, v0;
	_ =	sdelay $0x1  }
0xa2: {  	v4 =	vadd.s32 v1, v4;
	_ =	sdelay $0x1  }
0xa3: {  	v3 =	vperm.xlane v3, v2;
	_ =	sdelay $0x1  }
0xa4: {  	s16 =	simm.s32 $0x12000;
	v3 =	vadd.s32 v1, v3  }
0xa5: {  	[tilespmem:s16], [sflag:$0x3] =	stream.indirect_vreg.gather [hbm4b:s2+s3], $0x80, v4, vm0, $0xb8;
	[tilespmem:$0x1A000] =	vst v63  }
0xa6: {  	s16 =	simm.s32 $0x12800  }
0xa7: {  	[tilespmem:s16], [sflag:$0x3] =	stream.indirect_vreg.gather [hbm4b:s6+s3], $0x80, v4, vm0, $0xb8;
	[tilespmem:$0x1A000] =	vst v63  }
0xa8: {  	s21 =	simm.s32 $0x13000  }
0xa9: {  	[tilespmem:s21], [sflag:$0x3] =	stream.indirect_vreg.gather [hbm4b:s2+s3], $0x80, v3, vm0, $0xb8;
	[tilespmem:$0x1A000] =	vst v63  }
0xaa: {  	s21 =	simm.s32 $0x13800  }
0xab: {  	[tilespmem:s21], [sflag:$0x3] =	stream.indirect_vreg.gather [hbm4b:s6+s3], $0x80, v3, vm0, $0xb8;
	[tilespmem:$0x1A000] =	vst v63  }
0xac: {  	_ =	swait.ge [sflag:s26], $0x6000  }
0xad: {  	[sflag:s26] =	ssyncset.done $0x0  }
0xae: {  	s16 =	simm.s32 $0x8000;
	s21 =	rddreg [dreg:$0x7];
	[sflag:s26] =	ssyncadd.s32 $0xFFFFA000  }
0xaf: {  	[hbm4b:s21+s3] =	stream.linear.scatter [tilespmem:s16], [sflag:$0x6], $0x6000, $0x38;
	[tilespmem:$0x1A000] =	vst v63  }
0xb0: {  	v3 =	vld [tilespmem:$0x180];
	_ =	sdelay $0x4  }
0xb1: {  	v55 =	vshll.u32 v3, $0x2  }
0xb2: {  	v3 =	vand.u32 $0x7, v3;
	v4 =	vand.u32 $0xFFFFFFE0, v55  }
0xb3: {  	v3 =	vor.u32 v3, v4  }
0xb4: {  	v4 =	vperm.xlane v3, v0;
	_ =	sdelay $0x1  }
0xb5: {  	v4 =	vadd.s32 v1, v4;
	_ =	sdelay $0x1  }
0xb6: {  	v3 =	vperm.xlane v3, v2;
	_ =	sdelay $0x1  }
0xb7: {  	s16 =	simm.s32 $0x14000;
	v3 =	vadd.s32 v1, v3  }
0xb8: {  	[tilespmem:s16], [sflag:$0x4] =	stream.indirect_vreg.gather [hbm4b:s2+s3], $0x80, v4, vm0, $0xb8;
	[tilespmem:$0x1A000] =	vst v63  }
0xb9: {  	s21 =	simm.s32 $0x14800  }
0xba: {  	[tilespmem:s21], [sflag:$0x4] =	stream.indirect_vreg.gather [hbm4b:s6+s3], $0x80, v4, vm0, $0xb8;
	[tilespmem:$0x1A000] =	vst v63  }
0xbb: {  	s21 =	simm.s32 $0x15000  }
0xbc: {  	[tilespmem:s21], [sflag:$0x4] =	stream.indirect_vreg.gather [hbm4b:s2+s3], $0x80, v3, vm0, $0xb8;
	[tilespmem:$0x1A000] =	vst v63  }
0xbd: {  	s21 =	simm.s32 $0x15800  }
0xbe: {  	[tilespmem:s21], [sflag:$0x4] =	stream.indirect_vreg.gather [hbm4b:s6+s3], $0x80, v3, vm0, $0xb8;
	[tilespmem:$0x1A000] =	vst v63  }
0xbf: {  	v3 =	vld [tilespmem:$0x190];
	_ =	sdelay $0x4  }
0xc0: {  	v56 =	vshll.u32 v3, $0x2  }
0xc1: {  	v3 =	vand.u32 $0x7, v3;
	v4 =	vand.u32 $0xFFFFFFE0, v56  }
0xc2: {  	v3 =	vor.u32 v3, v4  }
0xc3: {  	v4 =	vperm.xlane v3, v0;
	_ =	sdelay $0x1  }
0xc4: {  	v4 =	vadd.s32 v1, v4;
	_ =	sdelay $0x1  }
0xc5: {  	v3 =	vperm.xlane v3, v2;
	_ =	sdelay $0x1  }
0xc6: {  	s21 =	simm.s32 $0x16000;
	v3 =	vadd.s32 v1, v3  }
0xc7: {  	[tilespmem:s21], [sflag:$0x4] =	stream.indirect_vreg.gather [hbm4b:s2+s3], $0x80, v4, vm0, $0xb8;
	[tilespmem:$0x1A000] =	vst v63  }
0xc8: {  	s21 =	simm.s32 $0x16800  }
0xc9: {  	[tilespmem:s21], [sflag:$0x4] =	stream.indirect_vreg.gather [hbm4b:s6+s3], $0x80, v4, vm0, $0xb8;
	[tilespmem:$0x1A000] =	vst v63  }
0xca: {  	s21 =	simm.s32 $0x17000  }
0xcb: {  	[tilespmem:s21], [sflag:$0x4] =	stream.indirect_vreg.gather [hbm4b:s2+s3], $0x80, v3, vm0, $0xb8;
	[tilespmem:$0x1A000] =	vst v63  }
0xcc: {  	s21 =	simm.s32 $0x17800  }
0xcd: {  	[tilespmem:s21], [sflag:$0x4] =	stream.indirect_vreg.gather [hbm4b:s6+s3], $0x80, v3, vm0, $0xb8;
	[tilespmem:$0x1A000] =	vst v63  }
0xce: {  	v3 =	vld [tilespmem:$0x1A0];
	_ =	sdelay $0x4  }
0xcf: {  	v57 =	vshll.u32 v3, $0x2  }
0xd0: {  	v3 =	vand.u32 $0x7, v3;
	v4 =	vand.u32 $0xFFFFFFE0, v57  }
0xd1: {  	v3 =	vor.u32 v3, v4  }
0xd2: {  	v4 =	vperm.xlane v3, v0;
	_ =	sdelay $0x1  }
0xd3: {  	v4 =	vadd.s32 v1, v4;
	_ =	sdelay $0x1  }
0xd4: {  	v3 =	vperm.xlane v3, v2;
	_ =	sdelay $0x1  }
0xd5: {  	s21 =	simm.s32 $0x18000;
	v3 =	vadd.s32 v1, v3  }
0xd6: {  	[tilespmem:s21], [sflag:$0x4] =	stream.indirect_vreg.gather [hbm4b:s2+s3], $0x80, v4, vm0, $0xb8;
	[tilespmem:$0x1A000] =	vst v63  }
0xd7: {  	s21 =	simm.s32 $0x18800  }
0xd8: {  	[tilespmem:s21], [sflag:$0x4] =	stream.indirect_vreg.gather [hbm4b:s6+s3], $0x80, v4, vm0, $0xb8;
	[tilespmem:$0x1A000] =	vst v63  }
0xd9: {  	s21 =	simm.s32 $0x19000  }
0xda: {  	[tilespmem:s21], [sflag:$0x4] =	stream.indirect_vreg.gather [hbm4b:s2+s3], $0x80, v3, vm0, $0xb8;
	[tilespmem:$0x1A000] =	vst v63  }
0xdb: {  	s21 =	simm.s32 $0x19800  }
0xdc: {  	[tilespmem:s21], [sflag:$0x4] =	stream.indirect_vreg.gather [hbm4b:s6+s3], $0x80, v3, vm0, $0xb8;
	[tilespmem:$0x1A000] =	vst v63  }
0xdd: {  	_ =	swait.ge [sflag:s4], $0x6000  }
0xde: {  	[sflag:s4] =	ssyncset.done $0x0  }
0xdf: {  	s21 =	rddreg [dreg:$0x8];
	[sflag:s4] =	ssyncadd.s32 $0xFFFFA000  }
0xe0: {  	[hbm4b:s21+s3] =	stream.linear.scatter [tilespmem:s14], [sflag:$0x7], $0x6000, $0x38;
	[tilespmem:$0x1A000] =	vst v63  }
0xe1: {  	_ =	swait.ge [sflag:s15], $0x6000  }
0xe2: {  	[sflag:s15] =	ssyncset.done $0x0  }
0xe3: {  	[sflag:s15] =	ssyncadd.s32 $0xFFFFA000  }
0xe4: {  	v3 =	vld [tilespmem:$0x200];
	_ =	sdelay $0x4  }
0xe5: {  	v58 =	vshll.u32 v3, $0x2  }
0xe6: {  	v3 =	vand.u32 $0x7, v3;
	v4 =	vand.u32 $0xFFFFFFE0, v58  }
0xe7: {  	v3 =	vor.u32 v3, v4  }
0xe8: {  	v4 =	vperm.xlane v3, v0;
	_ =	sdelay $0x1  }
0xe9: {  	v4 =	vadd.s32 v1, v4;
	_ =	sdelay $0x1  }
0xea: {  	v3 =	vperm.xlane v3, v2;
	_ =	sdelay $0x1  }
0xeb: {  	s21 =	simm.s32 $0x2000;
	v3 =	vadd.s32 v1, v3  }
0xec: {  	[tilespmem:s21], [sflag:$0x1] =	stream.indirect_vreg.gather [hbm4b:s2+s3], $0x80, v4, vm0, $0xb8;
	[tilespmem:$0x1A000] =	vst v63  }
0xed: {  	_ = 	snop  }
0xee: {  	[tilespmem:s24], [sflag:$0x1] =	stream.indirect_vreg.gather [hbm4b:s6+s3], $0x80, v4, vm0, $0xb8;
	[tilespmem:$0x1A000] =	vst v63  }
0xef: {  	_ = 	snop  }
0xf0: {  	[tilespmem:s22], [sflag:$0x1] =	stream.indirect_vreg.gather [hbm4b:s2+s3], $0x80, v3, vm0, $0xb8;
	[tilespmem:$0x1A000] =	vst v63  }
0xf1: {  	_ = 	snop  }
0xf2: {  	[tilespmem:s23], [sflag:$0x1] =	stream.indirect_vreg.gather [hbm4b:s6+s3], $0x80, v3, vm0, $0xb8;
	[tilespmem:$0x1A000] =	vst v63  }
0xf3: {  	v3 =	vld [tilespmem:$0x210];
	_ =	sdelay $0x4  }
0xf4: {  	v59 =	vshll.u32 v3, $0x2  }
0xf5: {  	v3 =	vand.u32 $0x7, v3;
	v4 =	vand.u32 $0xFFFFFFE0, v59  }
0xf6: {  	v3 =	vor.u32 v3, v4  }
0xf7: {  	v4 =	vperm.xlane v3, v0;
	_ =	sdelay $0x1  }
0xf8: {  	v4 =	vadd.s32 v1, v4;
	_ =	sdelay $0x1  }
0xf9: {  	v3 =	vperm.xlane v3, v2;
	_ =	sdelay $0x1  }
0xfa: {  	v3 =	vadd.s32 v1, v3  }
0xfb: {  	[tilespmem:s25], [sflag:$0x1] =	stream.indirect_vreg.gather [hbm4b:s2+s3], $0x80, v4, vm0, $0xb8;
	[tilespmem:$0x1A000] =	vst v63  }
0xfc: {  	_ = 	snop  }
0xfd: {  	[tilespmem:s30], [sflag:$0x1] =	stream.indirect_vreg.gather [hbm4b:s6+s3], $0x80, v4, vm0, $0xb8;
	[tilespmem:$0x1A000] =	vst v63  }
0xfe: {  	_ = 	snop  }
0xff: {  	[tilespmem:s0], [sflag:$0x1] =	stream.indirect_vreg.gather [hbm4b:s2+s3], $0x80, v3, vm0, $0xb8;
	[tilespmem:$0x1A000] =	vst v63  }
0x100: {  	_ = 	snop  }
0x101: {  	[tilespmem:s1], [sflag:$0x1] =	stream.indirect_vreg.gather [hbm4b:s6+s3], $0x80, v3, vm0, $0xb8;
	[tilespmem:$0x1A000] =	vst v63  }
0x102: {  	v3 =	vld [tilespmem:$0x220];
	_ =	sdelay $0x4  }
0x103: {  	v60 =	vshll.u32 v3, $0x2  }
0x104: {  	v3 =	vand.u32 $0x7, v3;
	v4 =	vand.u32 $0xFFFFFFE0, v60  }
0x105: {  	v3 =	vor.u32 v3, v4  }
0x106: {  	v4 =	vperm.xlane v3, v0;
	_ =	sdelay $0x1  }
0x107: {  	v4 =	vadd.s32 v1, v4;
	_ =	sdelay $0x1  }
0x108: {  	v3 =	vperm.xlane v3, v2;
	_ =	sdelay $0x1  }
0x109: {  	v3 =	vadd.s32 v1, v3  }
0x10a: {  	[tilespmem:s5], [sflag:$0x1] =	stream.indirect_vreg.gather [hbm4b:s2+s3], $0x80, v4, vm0, $0xb8;
	[tilespmem:$0x1A000] =	vst v63  }
0x10b: {  	_ = 	snop  }
0x10c: {  	[tilespmem:s7], [sflag:$0x1] =	stream.indirect_vreg.gather [hbm4b:s6+s3], $0x80, v4, vm0, $0xb8;
	[tilespmem:$0x1A000] =	vst v63  }
0x10d: {  	_ = 	snop  }
0x10e: {  	[tilespmem:s8], [sflag:$0x1] =	stream.indirect_vreg.gather [hbm4b:s2+s3], $0x80, v3, vm0, $0xb8;
	[tilespmem:$0x1A000] =	vst v63  }
0x10f: {  	_ = 	snop  }
0x110: {  	[tilespmem:s9], [sflag:$0x1] =	stream.indirect_vreg.gather [hbm4b:s6+s3], $0x80, v3, vm0, $0xb8;
	[tilespmem:$0x1A000] =	vst v63  }
0x111: {  	_ =	swait.ge [sflag:s17], $0x6000  }
0x112: {  	[sflag:s17] =	ssyncset.done $0x0  }
0x113: {  	s22 =	rddreg [dreg:$0x9];
	[sflag:s17] =	ssyncadd.s32 $0xFFFFA000  }
0x114: {  	[hbm4b:s22+s3] =	stream.linear.scatter [tilespmem:s16], [sflag:$0x8], $0x6000, $0x38;
	[tilespmem:$0x1A000] =	vst v63  }
0x115: {  	_ =	swait.ge [sflag:s18], $0x6000  }
0x116: {  	[sflag:s18] =	ssyncset.done $0x0  }
0x117: {  	[sflag:s18] =	ssyncadd.s32 $0xFFFFA000  }
0x118: {  	v3 =	vld [tilespmem:$0x280];
	_ =	sdelay $0x4  }
0x119: {  	v61 =	vshll.u32 v3, $0x2  }
0x11a: {  	v3 =	vand.u32 $0x7, v3;
	v4 =	vand.u32 $0xFFFFFFE0, v61  }
0x11b: {  	v3 =	vor.u32 v3, v4  }
0x11c: {  	v4 =	vperm.xlane v3, v0;
	_ =	sdelay $0x1  }
0x11d: {  	v4 =	vadd.s32 v1, v4;
	_ =	sdelay $0x1  }
0x11e: {  	v3 =	vperm.xlane v3, v2;
	_ =	sdelay $0x1  }
0x11f: {  	s23 =	simm.s32 $0x8000;
	v3 =	vadd.s32 v1, v3  }
0x120: {  	[tilespmem:s23], [sflag:$0x2] =	stream.indirect_vreg.gather [hbm4b:s2+s3], $0x80, v4, vm0, $0xb8;
	[tilespmem:$0x1A000] =	vst v63  }
0x121: {  	_ = 	snop  }
0x122: {  	[tilespmem:s10], [sflag:$0x2] =	stream.indirect_vreg.gather [hbm4b:s6+s3], $0x80, v4, vm0, $0xb8;
	[tilespmem:$0x1A000] =	vst v63  }
0x123: {  	_ = 	snop  }
0x124: {  	[tilespmem:s11], [sflag:$0x2] =	stream.indirect_vreg.gather [hbm4b:s2+s3], $0x80, v3, vm0, $0xb8;
	[tilespmem:$0x1A000] =	vst v63  }
0x125: {  	_ = 	snop  }
0x126: {  	[tilespmem:s12], [sflag:$0x2] =	stream.indirect_vreg.gather [hbm4b:s6+s3], $0x80, v3, vm0, $0xb8;
	[tilespmem:$0x1A000] =	vst v63  }
0x127: {  	v3 =	vld [tilespmem:$0x290];
	_ =	sdelay $0x4  }
0x128: {  	v62 =	vshll.u32 v3, $0x2  }
0x129: {  	v3 =	vand.u32 $0x7, v3;
	v4 =	vand.u32 $0xFFFFFFE0, v62  }
0x12a: {  	v3 =	vor.u32 v3, v4  }
0x12b: {  	v4 =	vperm.xlane v3, v0;
	_ =	sdelay $0x1  }
0x12c: {  	v4 =	vadd.s32 v1, v4;
	_ =	sdelay $0x1  }
0x12d: {  	v3 =	vperm.xlane v3, v2;
	_ =	sdelay $0x1  }
0x12e: {  	v3 =	vadd.s32 v1, v3  }
0x12f: {  	[tilespmem:s28], [sflag:$0x2] =	stream.indirect_vreg.gather [hbm4b:s2+s3], $0x80, v4, vm0, $0xb8;
	[tilespmem:$0x1A000] =	vst v63  }
0x130: {  	_ = 	snop  }
0x131: {  	[tilespmem:s29], [sflag:$0x2] =	stream.indirect_vreg.gather [hbm4b:s6+s3], $0x80, v4, vm0, $0xb8;
	[tilespmem:$0x1A000] =	vst v63  }
0x132: {  	_ = 	snop  }
0x133: {  	[tilespmem:s31], [sflag:$0x2] =	stream.indirect_vreg.gather [hbm4b:s2+s3], $0x80, v3, vm0, $0xb8;
	[tilespmem:$0x1A000] =	vst v63  }
0x134: {  	s24 =	simm.s32 $0xB800  }
0x135: {  	[tilespmem:s24], [sflag:$0x2] =	stream.indirect_vreg.gather [hbm4b:s6+s3], $0x80, v3, vm0, $0xb8;
	[tilespmem:$0x1A000] =	vst v63  }
0x136: {  	v3 =	vld [tilespmem:$0x2A0];
	_ =	sdelay $0x4  }
0x137: {  	v63 =	vshll.u32 v3, $0x2  }
0x138: {  	v3 =	vand.u32 $0x7, v3;
	v4 =	vand.u32 $0xFFFFFFE0, v63  }
0x139: {  	v3 =	vor.u32 v3, v4  }
0x13a: {  	v4 =	vperm.xlane v3, v0;
	_ =	sdelay $0x1  }
0x13b: {  	v4 =	vadd.s32 v1, v4;
	_ =	sdelay $0x1  }
0x13c: {  	s21 =	simm.s32 $0x4A0;
	s25 =	simm.s32 $0xC000;
	v3 =	vperm.xlane v3, v2  }
0x13d: {  	s30 =	simm.s32 $0x3800;
	s0 =	simm.s32 $0x4800;
	s1 =	simm.s32 $0x5000  }
0x13e: {  	s5 =	simm.s32 $0x5800;
	s7 =	simm.s32 $0x6000;
	s8 =	simm.s32 $0x6800;
	v3 =	vadd.s32 v1, v3  }
0x13f: {  	[tilespmem:s25], [sflag:$0x2] =	stream.indirect_vreg.gather [hbm4b:s2+s3], $0x80, v4, vm0, $0xb8;
	[tilespmem:$0x1A000] =	vst v63  }
0x140: {  	s9 =	simm.s32 $0x7000;
	s22 =	simm.s32 $0x0;
	s28 =	simm.s32 $0xC800  }
0x141: {  	[tilespmem:s28], [sflag:$0x2] =	stream.indirect_vreg.gather [hbm4b:s6+s3], $0x80, v4, vm0, $0xb8;
	[tilespmem:$0x1A000] =	vst v63  }
0x142: {  	s16 =	simm.s32 $0x9800;
	s10 =	simm.s32 $0x7800;
	s29 =	simm.s32 $0xD000  }
0x143: {  	[tilespmem:s29], [sflag:$0x2] =	stream.indirect_vreg.gather [hbm4b:s2+s3], $0x80, v3, vm0, $0xb8;
	[tilespmem:$0x1A000] =	vst v63  }
0x144: {  	s11 =	simm.s32 $0x8800;
	s12 =	simm.s32 $0x9000;
	s31 =	simm.s32 $0xD800  }
0x145: {  	[tilespmem:s31], [sflag:$0x2] =	stream.indirect_vreg.gather [hbm4b:s6+s3], $0x80, v3, vm0, $0xb8;
	[tilespmem:$0x1A000] =	vst v63  }
.LBB2_2:
0x146: {  	_ =	swait.ge [sflag:s13], $0x6000  }
0x147: {  	s23 =	rddreg [dreg:$0x4]  }
0x148: {  	[sflag:s13] =	ssyncset.done $0x0;
	s23 =	sadd.s32 s22, s23  }
0x149: {  	s29 =	simm.s32 $0x2000;
	[sflag:s13] =	ssyncadd.s32 $0xFFFFA000;
	s24 =	sadd.s32 $0x3000, s23  }
0x14a: {  	[hbm4b:s24+s3] =	stream.linear.scatter [tilespmem:s29], [sflag:$0x5], $0x6000, $0x38;
	[tilespmem:$0x1A000] =	vst v63  }
0x14b: {  	_ =	swait.ge [sflag:s19], $0x6000  }
0x14c: {  	[sflag:s19] =	ssyncset.done $0x0  }
0x14d: {  	[sflag:s19] =	ssyncadd.s32 $0xFFFFA000  }
0x14e: {  	v3 =	vld [tilespmem:s21+$0xFFFFFE60];
	_ =	sdelay $0x4  }
0x14f: {  	v4 =	vshll.u32 v3, $0x2  }
0x150: {  	v3 =	vand.u32 $0x7, v3;
	v4 =	vand.u32 $0xFFFFFFE0, v4  }
0x151: {  	v3 =	vor.u32 v3, v4  }
0x152: {  	v4 =	vperm.xlane v3, v0;
	_ =	sdelay $0x1  }
0x153: {  	v4 =	vadd.s32 v1, v4;
	_ =	sdelay $0x1  }
0x154: {  	v3 =	vperm.xlane v3, v2;
	_ =	sdelay $0x1  }
0x155: {  	s14 =	simm.s32 $0xE000;
	v3 =	vadd.s32 v1, v3  }
0x156: {  	[tilespmem:s14], [sflag:$0x3] =	stream.indirect_vreg.gather [hbm4b:s2+s3], $0x80, v4, vm0, $0xb8;
	[tilespmem:$0x1A000] =	vst v63  }
0x157: {  	s31 =	simm.s32 $0xE800  }
0x158: {  	[tilespmem:s31], [sflag:$0x3] =	stream.indirect_vreg.gather [hbm4b:s6+s3], $0x80, v4, vm0, $0xb8;
	[tilespmem:$0x1A000] =	vst v63  }
0x159: {  	s25 =	simm.s32 $0xF000  }
0x15a: {  	[tilespmem:s25], [sflag:$0x3] =	stream.indirect_vreg.gather [hbm4b:s2+s3], $0x80, v3, vm0, $0xb8;
	[tilespmem:$0x1A000] =	vst v63  }
0x15b: {  	s31 =	simm.s32 $0xF800  }
0x15c: {  	[tilespmem:s31], [sflag:$0x3] =	stream.indirect_vreg.gather [hbm4b:s6+s3], $0x80, v3, vm0, $0xb8;
	[tilespmem:$0x1A000] =	vst v63  }
0x15d: {  	v3 =	vld [tilespmem:s21+$0xFFFFFE70];
	_ =	sdelay $0x4  }
0x15e: {  	v53 =	vshll.u32 v3, $0x2  }
0x15f: {  	v3 =	vand.u32 $0x7, v3;
	v4 =	vand.u32 $0xFFFFFFE0, v53  }
0x160: {  	v3 =	vor.u32 v3, v4  }
0x161: {  	v4 =	vperm.xlane v3, v0;
	_ =	sdelay $0x1  }
0x162: {  	v4 =	vadd.s32 v1, v4;
	_ =	sdelay $0x1  }
0x163: {  	v3 =	vperm.xlane v3, v2;
	_ =	sdelay $0x1  }
0x164: {  	s25 =	simm.s32 $0x10000;
	v3 =	vadd.s32 v1, v3  }
0x165: {  	[tilespmem:s25], [sflag:$0x3] =	stream.indirect_vreg.gather [hbm4b:s2+s3], $0x80, v4, vm0, $0xb8;
	[tilespmem:$0x1A000] =	vst v63  }
0x166: {  	s31 =	simm.s32 $0x10800  }
0x167: {  	[tilespmem:s31], [sflag:$0x3] =	stream.indirect_vreg.gather [hbm4b:s6+s3], $0x80, v4, vm0, $0xb8;
	[tilespmem:$0x1A000] =	vst v63  }
0x168: {  	s25 =	simm.s32 $0x11000  }
0x169: {  	[tilespmem:s25], [sflag:$0x3] =	stream.indirect_vreg.gather [hbm4b:s2+s3], $0x80, v3, vm0, $0xb8;
	[tilespmem:$0x1A000] =	vst v63  }
0x16a: {  	s31 =	simm.s32 $0x11800  }
0x16b: {  	[tilespmem:s31], [sflag:$0x3] =	stream.indirect_vreg.gather [hbm4b:s6+s3], $0x80, v3, vm0, $0xb8;
	[tilespmem:$0x1A000] =	vst v63  }
0x16c: {  	v3 =	vld [tilespmem:s21+$0xFFFFFE80];
	_ =	sdelay $0x4  }
0x16d: {  	v54 =	vshll.u32 v3, $0x2  }
0x16e: {  	v3 =	vand.u32 $0x7, v3;
	v4 =	vand.u32 $0xFFFFFFE0, v54  }
0x16f: {  	v3 =	vor.u32 v3, v4  }
0x170: {  	v4 =	vperm.xlane v3, v0;
	_ =	sdelay $0x1  }
0x171: {  	v4 =	vadd.s32 v1, v4;
	_ =	sdelay $0x1  }
0x172: {  	v3 =	vperm.xlane v3, v2;
	_ =	sdelay $0x1  }
0x173: {  	s25 =	simm.s32 $0x12000;
	v3 =	vadd.s32 v1, v3  }
0x174: {  	[tilespmem:s25], [sflag:$0x3] =	stream.indirect_vreg.gather [hbm4b:s2+s3], $0x80, v4, vm0, $0xb8;
	[tilespmem:$0x1A000] =	vst v63  }
0x175: {  	s31 =	simm.s32 $0x12800  }
0x176: {  	[tilespmem:s31], [sflag:$0x3] =	stream.indirect_vreg.gather [hbm4b:s6+s3], $0x80, v4, vm0, $0xb8;
	[tilespmem:$0x1A000] =	vst v63  }
0x177: {  	s25 =	simm.s32 $0x13000  }
0x178: {  	[tilespmem:s25], [sflag:$0x3] =	stream.indirect_vreg.gather [hbm4b:s2+s3], $0x80, v3, vm0, $0xb8;
	[tilespmem:$0x1A000] =	vst v63  }
0x179: {  	s31 =	simm.s32 $0x13800  }
0x17a: {  	[tilespmem:s31], [sflag:$0x3] =	stream.indirect_vreg.gather [hbm4b:s6+s3], $0x80, v3, vm0, $0xb8;
	[tilespmem:$0x1A000] =	vst v63  }
0x17b: {  	_ =	swait.ge [sflag:s26], $0x6000  }
0x17c: {  	[sflag:s26] =	ssyncset.done $0x0  }
0x17d: {  	s28 =	simm.s32 $0x8000;
	s25 =	sadd.s32 $0x3C00, s23;
	[sflag:s26] =	ssyncadd.s32 $0xFFFFA000  }
0x17e: {  	[hbm4b:s25+s3] =	stream.linear.scatter [tilespmem:s28], [sflag:$0x6], $0x6000, $0x38;
	[tilespmem:$0x1A000] =	vst v63  }
0x17f: {  	_ =	swait.ge [sflag:s20], $0x6000  }
0x180: {  	[sflag:s20] =	ssyncset.done $0x0  }
0x181: {  	[sflag:s20] =	ssyncadd.s32 $0xFFFFA000  }
0x182: {  	v3 =	vld [tilespmem:s21+$0xFFFFFEE0];
	_ =	sdelay $0x4  }
0x183: {  	v55 =	vshll.u32 v3, $0x2  }
0x184: {  	v3 =	vand.u32 $0x7, v3;
	v4 =	vand.u32 $0xFFFFFFE0, v55  }
0x185: {  	v3 =	vor.u32 v3, v4  }
0x186: {  	v4 =	vperm.xlane v3, v0;
	_ =	sdelay $0x1  }
0x187: {  	v4 =	vadd.s32 v1, v4;
	_ =	sdelay $0x1  }
0x188: {  	v3 =	vperm.xlane v3, v2;
	_ =	sdelay $0x1  }
0x189: {  	s25 =	simm.s32 $0x14000;
	v3 =	vadd.s32 v1, v3  }
0x18a: {  	[tilespmem:s25], [sflag:$0x4] =	stream.indirect_vreg.gather [hbm4b:s2+s3], $0x80, v4, vm0, $0xb8;
	[tilespmem:$0x1A000] =	vst v63  }
0x18b: {  	s31 =	simm.s32 $0x14800  }
0x18c: {  	[tilespmem:s31], [sflag:$0x4] =	stream.indirect_vreg.gather [hbm4b:s6+s3], $0x80, v4, vm0, $0xb8;
	[tilespmem:$0x1A000] =	vst v63  }
0x18d: {  	s31 =	simm.s32 $0x15000  }
0x18e: {  	[tilespmem:s31], [sflag:$0x4] =	stream.indirect_vreg.gather [hbm4b:s2+s3], $0x80, v3, vm0, $0xb8;
	[tilespmem:$0x1A000] =	vst v63  }
0x18f: {  	s31 =	simm.s32 $0x15800  }
0x190: {  	[tilespmem:s31], [sflag:$0x4] =	stream.indirect_vreg.gather [hbm4b:s6+s3], $0x80, v3, vm0, $0xb8;
	[tilespmem:$0x1A000] =	vst v63  }
0x191: {  	v3 =	vld [tilespmem:s21+$0xFFFFFEF0];
	_ =	sdelay $0x4  }
0x192: {  	v56 =	vshll.u32 v3, $0x2  }
0x193: {  	v3 =	vand.u32 $0x7, v3;
	v4 =	vand.u32 $0xFFFFFFE0, v56  }
0x194: {  	v3 =	vor.u32 v3, v4  }
0x195: {  	v4 =	vperm.xlane v3, v0;
	_ =	sdelay $0x1  }
0x196: {  	v4 =	vadd.s32 v1, v4;
	_ =	sdelay $0x1  }
0x197: {  	v3 =	vperm.xlane v3, v2;
	_ =	sdelay $0x1  }
0x198: {  	s31 =	simm.s32 $0x16000;
	v3 =	vadd.s32 v1, v3  }
0x199: {  	[tilespmem:s31], [sflag:$0x4] =	stream.indirect_vreg.gather [hbm4b:s2+s3], $0x80, v4, vm0, $0xb8;
	[tilespmem:$0x1A000] =	vst v63  }
0x19a: {  	s31 =	simm.s32 $0x16800  }
0x19b: {  	[tilespmem:s31], [sflag:$0x4] =	stream.indirect_vreg.gather [hbm4b:s6+s3], $0x80, v4, vm0, $0xb8;
	[tilespmem:$0x1A000] =	vst v63  }
0x19c: {  	s31 =	simm.s32 $0x17000  }
0x19d: {  	[tilespmem:s31], [sflag:$0x4] =	stream.indirect_vreg.gather [hbm4b:s2+s3], $0x80, v3, vm0, $0xb8;
	[tilespmem:$0x1A000] =	vst v63  }
0x19e: {  	s31 =	simm.s32 $0x17800  }
0x19f: {  	[tilespmem:s31], [sflag:$0x4] =	stream.indirect_vreg.gather [hbm4b:s6+s3], $0x80, v3, vm0, $0xb8;
	[tilespmem:$0x1A000] =	vst v63  }
0x1a0: {  	v3 =	vld [tilespmem:s21+$0xFFFFFF00];
	_ =	sdelay $0x4  }
0x1a1: {  	v57 =	vshll.u32 v3, $0x2  }
0x1a2: {  	v3 =	vand.u32 $0x7, v3;
	v4 =	vand.u32 $0xFFFFFFE0, v57  }
0x1a3: {  	v3 =	vor.u32 v3, v4  }
0x1a4: {  	v4 =	vperm.xlane v3, v0;
	_ =	sdelay $0x1  }
0x1a5: {  	v4 =	vadd.s32 v1, v4;
	_ =	sdelay $0x1  }
0x1a6: {  	v3 =	vperm.xlane v3, v2;
	_ =	sdelay $0x1  }
0x1a7: {  	s31 =	simm.s32 $0x18000;
	v3 =	vadd.s32 v1, v3  }
0x1a8: {  	[tilespmem:s31], [sflag:$0x4] =	stream.indirect_vreg.gather [hbm4b:s2+s3], $0x80, v4, vm0, $0xb8;
	[tilespmem:$0x1A000] =	vst v63  }
0x1a9: {  	s31 =	simm.s32 $0x18800  }
0x1aa: {  	[tilespmem:s31], [sflag:$0x4] =	stream.indirect_vreg.gather [hbm4b:s6+s3], $0x80, v4, vm0, $0xb8;
	[tilespmem:$0x1A000] =	vst v63  }
0x1ab: {  	s31 =	simm.s32 $0x19000  }
0x1ac: {  	[tilespmem:s31], [sflag:$0x4] =	stream.indirect_vreg.gather [hbm4b:s2+s3], $0x80, v3, vm0, $0xb8;
	[tilespmem:$0x1A000] =	vst v63  }
0x1ad: {  	s31 =	simm.s32 $0x19800  }
0x1ae: {  	[tilespmem:s31], [sflag:$0x4] =	stream.indirect_vreg.gather [hbm4b:s6+s3], $0x80, v3, vm0, $0xb8;
	[tilespmem:$0x1A000] =	vst v63  }
0x1af: {  	_ =	swait.ge [sflag:s4], $0x6000  }
0x1b0: {  	[sflag:s4] =	ssyncset.done $0x0  }
0x1b1: {  	s31 =	sadd.s32 $0x4800, s23;
	[sflag:s4] =	ssyncadd.s32 $0xFFFFA000  }
0x1b2: {  	[hbm4b:s31+s3] =	stream.linear.scatter [tilespmem:s14], [sflag:$0x7], $0x6000, $0x38;
	[tilespmem:$0x1A000] =	vst v63  }
0x1b3: {  	_ =	swait.ge [sflag:s15], $0x6000  }
0x1b4: {  	[sflag:s15] =	ssyncset.done $0x0  }
0x1b5: {  	[sflag:s15] =	ssyncadd.s32 $0xFFFFA000  }
0x1b6: {  	v3 =	vld [tilespmem:s21+$0xFFFFFF60];
	_ =	sdelay $0x4  }
0x1b7: {  	v58 =	vshll.u32 v3, $0x2  }
0x1b8: {  	v3 =	vand.u32 $0x7, v3;
	v4 =	vand.u32 $0xFFFFFFE0, v58  }
0x1b9: {  	v3 =	vor.u32 v3, v4  }
0x1ba: {  	v4 =	vperm.xlane v3, v0;
	_ =	sdelay $0x1  }
0x1bb: {  	v4 =	vadd.s32 v1, v4;
	_ =	sdelay $0x1  }
0x1bc: {  	v3 =	vperm.xlane v3, v2;
	_ =	sdelay $0x1  }
0x1bd: {  	v3 =	vadd.s32 v1, v3  }
0x1be: {  	[tilespmem:s29], [sflag:$0x1] =	stream.indirect_vreg.gather [hbm4b:s2+s3], $0x80, v4, vm0, $0xb8;
	[tilespmem:$0x1A000] =	vst v63  }
0x1bf: {  	s24 =	simm.s32 $0x2800  }
0x1c0: {  	[tilespmem:s24], [sflag:$0x1] =	stream.indirect_vreg.gather [hbm4b:s6+s3], $0x80, v4, vm0, $0xb8;
	[tilespmem:$0x1A000] =	vst v63  }
0x1c1: {  	s31 =	simm.s32 $0x3000  }
0x1c2: {  	[tilespmem:s31], [sflag:$0x1] =	stream.indirect_vreg.gather [hbm4b:s2+s3], $0x80, v3, vm0, $0xb8;
	[tilespmem:$0x1A000] =	vst v63  }
0x1c3: {  	_ = 	snop  }
0x1c4: {  	[tilespmem:s30], [sflag:$0x1] =	stream.indirect_vreg.gather [hbm4b:s6+s3], $0x80, v3, vm0, $0xb8;
	[tilespmem:$0x1A000] =	vst v63  }
0x1c5: {  	v3 =	vld [tilespmem:s21+$0xFFFFFF70];
	_ =	sdelay $0x4  }
0x1c6: {  	v59 =	vshll.u32 v3, $0x2  }
0x1c7: {  	v3 =	vand.u32 $0x7, v3;
	v4 =	vand.u32 $0xFFFFFFE0, v59  }
0x1c8: {  	v3 =	vor.u32 v3, v4  }
0x1c9: {  	v4 =	vperm.xlane v3, v0;
	_ =	sdelay $0x1  }
0x1ca: {  	v4 =	vadd.s32 v1, v4;
	_ =	sdelay $0x1  }
0x1cb: {  	v3 =	vperm.xlane v3, v2;
	_ =	sdelay $0x1  }
0x1cc: {  	s31 =	simm.s32 $0x4000;
	v3 =	vadd.s32 v1, v3  }
0x1cd: {  	[tilespmem:s31], [sflag:$0x1] =	stream.indirect_vreg.gather [hbm4b:s2+s3], $0x80, v4, vm0, $0xb8;
	[tilespmem:$0x1A000] =	vst v63  }
0x1ce: {  	_ = 	snop  }
0x1cf: {  	[tilespmem:s0], [sflag:$0x1] =	stream.indirect_vreg.gather [hbm4b:s6+s3], $0x80, v4, vm0, $0xb8;
	[tilespmem:$0x1A000] =	vst v63  }
0x1d0: {  	_ = 	snop  }
0x1d1: {  	[tilespmem:s1], [sflag:$0x1] =	stream.indirect_vreg.gather [hbm4b:s2+s3], $0x80, v3, vm0, $0xb8;
	[tilespmem:$0x1A000] =	vst v63  }
0x1d2: {  	_ = 	snop  }
0x1d3: {  	[tilespmem:s5], [sflag:$0x1] =	stream.indirect_vreg.gather [hbm4b:s6+s3], $0x80, v3, vm0, $0xb8;
	[tilespmem:$0x1A000] =	vst v63  }
0x1d4: {  	v3 =	vld [tilespmem:s21+$0xFFFFFF80];
	_ =	sdelay $0x4  }
0x1d5: {  	v60 =	vshll.u32 v3, $0x2  }
0x1d6: {  	v3 =	vand.u32 $0x7, v3;
	v4 =	vand.u32 $0xFFFFFFE0, v60  }
0x1d7: {  	v3 =	vor.u32 v3, v4  }
0x1d8: {  	v4 =	vperm.xlane v3, v0;
	_ =	sdelay $0x1  }
0x1d9: {  	v4 =	vadd.s32 v1, v4;
	_ =	sdelay $0x1  }
0x1da: {  	v3 =	vperm.xlane v3, v2;
	_ =	sdelay $0x1  }
0x1db: {  	v3 =	vadd.s32 v1, v3  }
0x1dc: {  	[tilespmem:s7], [sflag:$0x1] =	stream.indirect_vreg.gather [hbm4b:s2+s3], $0x80, v4, vm0, $0xb8;
	[tilespmem:$0x1A000] =	vst v63  }
0x1dd: {  	_ = 	snop  }
0x1de: {  	[tilespmem:s8], [sflag:$0x1] =	stream.indirect_vreg.gather [hbm4b:s6+s3], $0x80, v4, vm0, $0xb8;
	[tilespmem:$0x1A000] =	vst v63  }
0x1df: {  	_ = 	snop  }
0x1e0: {  	[tilespmem:s9], [sflag:$0x1] =	stream.indirect_vreg.gather [hbm4b:s2+s3], $0x80, v3, vm0, $0xb8;
	[tilespmem:$0x1A000] =	vst v63  }
0x1e1: {  	_ = 	snop  }
0x1e2: {  	[tilespmem:s10], [sflag:$0x1] =	stream.indirect_vreg.gather [hbm4b:s6+s3], $0x80, v3, vm0, $0xb8;
	[tilespmem:$0x1A000] =	vst v63  }
0x1e3: {  	_ =	swait.ge [sflag:s17], $0x6000  }
0x1e4: {  	[sflag:s17] =	ssyncset.done $0x0  }
0x1e5: {  	s23 =	sadd.s32 $0x5400, s23;
	[sflag:s17] =	ssyncadd.s32 $0xFFFFA000  }
0x1e6: {  	[hbm4b:s23+s3] =	stream.linear.scatter [tilespmem:s25], [sflag:$0x8], $0x6000, $0x38;
	[tilespmem:$0x1A000] =	vst v63  }
0x1e7: {  	_ =	swait.ge [sflag:s18], $0x6000  }
0x1e8: {  	[sflag:s18] =	ssyncset.done $0x0  }
0x1e9: {  	[sflag:s18] =	ssyncadd.s32 $0xFFFFA000  }
0x1ea: {  	v3 =	vld [tilespmem:s21+$0xFFFFFFE0];
	_ =	sdelay $0x4  }
0x1eb: {  	v61 =	vshll.u32 v3, $0x2  }
0x1ec: {  	v3 =	vand.u32 $0x7, v3;
	v4 =	vand.u32 $0xFFFFFFE0, v61  }
0x1ed: {  	v3 =	vor.u32 v3, v4  }
0x1ee: {  	v4 =	vperm.xlane v3, v0;
	_ =	sdelay $0x1  }
0x1ef: {  	v4 =	vadd.s32 v1, v4;
	_ =	sdelay $0x1  }
0x1f0: {  	v3 =	vperm.xlane v3, v2;
	_ =	sdelay $0x1  }
0x1f1: {  	v3 =	vadd.s32 v1, v3  }
0x1f2: {  	[tilespmem:s28], [sflag:$0x2] =	stream.indirect_vreg.gather [hbm4b:s2+s3], $0x80, v4, vm0, $0xb8;
	[tilespmem:$0x1A000] =	vst v63  }
0x1f3: {  	_ = 	snop  }
0x1f4: {  	[tilespmem:s11], [sflag:$0x2] =	stream.indirect_vreg.gather [hbm4b:s6+s3], $0x80, v4, vm0, $0xb8;
	[tilespmem:$0x1A000] =	vst v63  }
0x1f5: {  	_ = 	snop  }
0x1f6: {  	[tilespmem:s12], [sflag:$0x2] =	stream.indirect_vreg.gather [hbm4b:s2+s3], $0x80, v3, vm0, $0xb8;
	[tilespmem:$0x1A000] =	vst v63  }
0x1f7: {  	_ = 	snop  }
0x1f8: {  	[tilespmem:s16], [sflag:$0x2] =	stream.indirect_vreg.gather [hbm4b:s6+s3], $0x80, v3, vm0, $0xb8;
	[tilespmem:$0x1A000] =	vst v63  }
0x1f9: {  	v3 =	vld [tilespmem:s21+$0xFFFFFFF0];
	_ =	sdelay $0x4  }
0x1fa: {  	v62 =	vshll.u32 v3, $0x2  }
0x1fb: {  	v3 =	vand.u32 $0x7, v3;
	v4 =	vand.u32 $0xFFFFFFE0, v62  }
0x1fc: {  	v3 =	vor.u32 v3, v4  }
0x1fd: {  	v4 =	vperm.xlane v3, v0;
	_ =	sdelay $0x1  }
0x1fe: {  	v4 =	vadd.s32 v1, v4;
	_ =	sdelay $0x1  }
0x1ff: {  	v3 =	vperm.xlane v3, v2;
	_ =	sdelay $0x1  }
0x200: {  	s28 =	simm.s32 $0xA000;
	v3 =	vadd.s32 v1, v3  }
0x201: {  	[tilespmem:s28], [sflag:$0x2] =	stream.indirect_vreg.gather [hbm4b:s2+s3], $0x80, v4, vm0, $0xb8;
	[tilespmem:$0x1A000] =	vst v63  }
0x202: {  	s29 =	simm.s32 $0xA800  }
0x203: {  	[tilespmem:s29], [sflag:$0x2] =	stream.indirect_vreg.gather [hbm4b:s6+s3], $0x80, v4, vm0, $0xb8;
	[tilespmem:$0x1A000] =	vst v63  }
0x204: {  	s31 =	simm.s32 $0xB000  }
0x205: {  	[tilespmem:s31], [sflag:$0x2] =	stream.indirect_vreg.gather [hbm4b:s2+s3], $0x80, v3, vm0, $0xb8;
	[tilespmem:$0x1A000] =	vst v63  }
0x206: {  	s31 =	simm.s32 $0xB800  }
0x207: {  	[tilespmem:s31], [sflag:$0x2] =	stream.indirect_vreg.gather [hbm4b:s6+s3], $0x80, v3, vm0, $0xb8;
	[tilespmem:$0x1A000] =	vst v63  }
0x208: {  	v3 =	vld [tilespmem:s21+$0x0];
	_ =	sdelay $0x4  }
0x209: {  	v63 =	vshll.u32 v3, $0x2  }
0x20a: {  	v3 =	vand.u32 $0x7, v3;
	v4 =	vand.u32 $0xFFFFFFE0, v63  }
0x20b: {  	v3 =	vor.u32 v3, v4  }
0x20c: {  	v4 =	vperm.xlane v3, v0;
	_ =	sdelay $0x1  }
0x20d: {  	v4 =	vadd.s32 v1, v4;
	_ =	sdelay $0x2  }
0x20e: {  	v3 =	vperm.xlane v3, v2  }
0x20f: {  	s31 =	simm.s32 $0xC000  }
0x210: {  	v3 =	vadd.s32 v1, v3;
	[tilespmem:s31], [sflag:$0x2] =	stream.indirect_vreg.gather [hbm4b:s2+s3], $0x80, v4, vm0, $0xb8;
	[tilespmem:$0x1A000] =	vst v63  }
0x211: {  	p0 =	sne.s32 s22, $0x27000;
	s31 =	simm.s32 $0xC800  }
0x212: {  	[tilespmem:s31], [sflag:$0x2] =	stream.indirect_vreg.gather [hbm4b:s6+s3], $0x80, v4, vm0, $0xb8;
	[tilespmem:$0x1A000] =	vst v63  }
.Ltmp0:
0x213: {  	_ = 	snop;
	(pc) =	sbr.rel @p0 .LBB2_2-.Ltmp0, $4  }
0x214: {  	s22 =	sadd.s32 $0x3000, s22;
	s14 =	simm.s32 $0x2000;
	s31 =	simm.s32 $0xD000  }
0x215: {  	[tilespmem:s31], [sflag:$0x2] =	stream.indirect_vreg.gather [hbm4b:s2+s3], $0x80, v3, vm0, $0xb8;
	[tilespmem:$0x1A000] =	vst v63  }
0x216: {  	s23 =	simm.s32 $0x8000;
	s21 =	sadd.s32 $0x200, s21;
	s31 =	simm.s32 $0xD800  }
0x217: {  	[tilespmem:s31], [sflag:$0x2] =	stream.indirect_vreg.gather [hbm4b:s6+s3], $0x80, v3, vm0, $0xb8;
	[tilespmem:$0x1A000] =	vst v63  }
0x218: {  	_ =	swait.ge [sflag:s13], $0x6000  }
0x219: {  	[sflag:s13] =	ssyncset.done $0x0  }
0x21a: {  	s21 =	rddreg [dreg:$0xa];
	[sflag:s13] =	ssyncadd.s32 $0xFFFFA000  }
0x21b: {  	[hbm4b:s21+s3] =	stream.linear.scatter [tilespmem:s14], [sflag:$0x5], $0x6000, $0x38;
	[tilespmem:$0x1A000] =	vst v63  }
0x21c: {  	_ =	swait.ge [sflag:s19], $0x6000  }
0x21d: {  	[sflag:s19] =	ssyncset.done $0x0  }
0x21e: {  	[sflag:s19] =	ssyncadd.s32 $0xFFFFA000  }
0x21f: {  	v3 =	vld [tilespmem:$0x1F00];
	_ =	sdelay $0x4  }
0x220: {  	v4 =	vshll.u32 v3, $0x2  }
0x221: {  	v3 =	vand.u32 $0x7, v3;
	v4 =	vand.u32 $0xFFFFFFE0, v4  }
0x222: {  	v3 =	vor.u32 v3, v4  }
0x223: {  	v4 =	vperm.xlane v3, v0;
	_ =	sdelay $0x1  }
0x224: {  	v4 =	vadd.s32 v1, v4;
	_ =	sdelay $0x1  }
0x225: {  	v3 =	vperm.xlane v3, v2;
	_ =	sdelay $0x1  }
0x226: {  	s0 =	simm.s32 $0xE000;
	v3 =	vadd.s32 v1, v3  }
0x227: {  	[tilespmem:s0], [sflag:$0x3] =	stream.indirect_vreg.gather [hbm4b:s2+s3], $0x80, v4, vm0, $0xb8;
	[tilespmem:$0x1A000] =	vst v63  }
0x228: {  	s1 =	simm.s32 $0xE800  }
0x229: {  	[tilespmem:s1], [sflag:$0x3] =	stream.indirect_vreg.gather [hbm4b:s6+s3], $0x80, v4, vm0, $0xb8;
	[tilespmem:$0x1A000] =	vst v63  }
0x22a: {  	s5 =	simm.s32 $0xF000  }
0x22b: {  	[tilespmem:s5], [sflag:$0x3] =	stream.indirect_vreg.gather [hbm4b:s2+s3], $0x80, v3, vm0, $0xb8;
	[tilespmem:$0x1A000] =	vst v63  }
0x22c: {  	s7 =	simm.s32 $0xF800  }
0x22d: {  	[tilespmem:s7], [sflag:$0x3] =	stream.indirect_vreg.gather [hbm4b:s6+s3], $0x80, v3, vm0, $0xb8;
	[tilespmem:$0x1A000] =	vst v63  }
0x22e: {  	v3 =	vld [tilespmem:$0x1F10];
	_ =	sdelay $0x4  }
0x22f: {  	v59 =	vshll.u32 v3, $0x2  }
0x230: {  	v3 =	vand.u32 $0x7, v3;
	v4 =	vand.u32 $0xFFFFFFE0, v59  }
0x231: {  	v3 =	vor.u32 v3, v4  }
0x232: {  	v4 =	vperm.xlane v3, v0;
	_ =	sdelay $0x1  }
0x233: {  	v4 =	vadd.s32 v1, v4;
	_ =	sdelay $0x1  }
0x234: {  	v3 =	vperm.xlane v3, v2;
	_ =	sdelay $0x1  }
0x235: {  	s8 =	simm.s32 $0x10000;
	v3 =	vadd.s32 v1, v3  }
0x236: {  	[tilespmem:s8], [sflag:$0x3] =	stream.indirect_vreg.gather [hbm4b:s2+s3], $0x80, v4, vm0, $0xb8;
	[tilespmem:$0x1A000] =	vst v63  }
0x237: {  	s9 =	simm.s32 $0x10800  }
0x238: {  	[tilespmem:s9], [sflag:$0x3] =	stream.indirect_vreg.gather [hbm4b:s6+s3], $0x80, v4, vm0, $0xb8;
	[tilespmem:$0x1A000] =	vst v63  }
0x239: {  	s10 =	simm.s32 $0x11000  }
0x23a: {  	[tilespmem:s10], [sflag:$0x3] =	stream.indirect_vreg.gather [hbm4b:s2+s3], $0x80, v3, vm0, $0xb8;
	[tilespmem:$0x1A000] =	vst v63  }
0x23b: {  	s11 =	simm.s32 $0x11800  }
0x23c: {  	[tilespmem:s11], [sflag:$0x3] =	stream.indirect_vreg.gather [hbm4b:s6+s3], $0x80, v3, vm0, $0xb8;
	[tilespmem:$0x1A000] =	vst v63  }
0x23d: {  	v3 =	vld [tilespmem:$0x1F20];
	_ =	sdelay $0x4  }
0x23e: {  	v60 =	vshll.u32 v3, $0x2  }
0x23f: {  	v3 =	vand.u32 $0x7, v3;
	v4 =	vand.u32 $0xFFFFFFE0, v60  }
0x240: {  	v3 =	vor.u32 v3, v4  }
0x241: {  	v4 =	vperm.xlane v3, v0;
	_ =	sdelay $0x1  }
0x242: {  	v4 =	vadd.s32 v1, v4;
	_ =	sdelay $0x1  }
0x243: {  	v3 =	vperm.xlane v3, v2;
	_ =	sdelay $0x1  }
0x244: {  	s12 =	simm.s32 $0x12000;
	v3 =	vadd.s32 v1, v3  }
0x245: {  	[tilespmem:s12], [sflag:$0x3] =	stream.indirect_vreg.gather [hbm4b:s2+s3], $0x80, v4, vm0, $0xb8;
	[tilespmem:$0x1A000] =	vst v63  }
0x246: {  	s14 =	simm.s32 $0x12800  }
0x247: {  	[tilespmem:s14], [sflag:$0x3] =	stream.indirect_vreg.gather [hbm4b:s6+s3], $0x80, v4, vm0, $0xb8;
	[tilespmem:$0x1A000] =	vst v63  }
0x248: {  	s16 =	simm.s32 $0x13000  }
0x249: {  	[tilespmem:s16], [sflag:$0x3] =	stream.indirect_vreg.gather [hbm4b:s2+s3], $0x80, v3, vm0, $0xb8;
	[tilespmem:$0x1A000] =	vst v63  }
0x24a: {  	s21 =	simm.s32 $0x13800  }
0x24b: {  	[tilespmem:s21], [sflag:$0x3] =	stream.indirect_vreg.gather [hbm4b:s6+s3], $0x80, v3, vm0, $0xb8;
	[tilespmem:$0x1A000] =	vst v63  }
0x24c: {  	_ =	swait.ge [sflag:s26], $0x6000  }
0x24d: {  	[sflag:s26] =	ssyncset.done $0x0  }
0x24e: {  	s22 =	rddreg [dreg:$0xb];
	[sflag:s26] =	ssyncadd.s32 $0xFFFFA000  }
0x24f: {  	[hbm4b:s22+s3] =	stream.linear.scatter [tilespmem:s23], [sflag:$0x6], $0x6000, $0x38;
	[tilespmem:$0x1A000] =	vst v63  }
0x250: {  	_ =	swait.ge [sflag:s20], $0x6000  }
0x251: {  	[sflag:s20] =	ssyncset.done $0x0  }
0x252: {  	[sflag:s20] =	ssyncadd.s32 $0xFFFFA000  }
0x253: {  	v3 =	vld [tilespmem:$0x1F80];
	_ =	sdelay $0x4  }
0x254: {  	v61 =	vshll.u32 v3, $0x2  }
0x255: {  	v3 =	vand.u32 $0x7, v3;
	v4 =	vand.u32 $0xFFFFFFE0, v61  }
0x256: {  	v3 =	vor.u32 v3, v4  }
0x257: {  	v4 =	vperm.xlane v3, v0;
	_ =	sdelay $0x1  }
0x258: {  	v4 =	vadd.s32 v1, v4;
	_ =	sdelay $0x1  }
0x259: {  	v3 =	vperm.xlane v3, v2;
	_ =	sdelay $0x1  }
0x25a: {  	s1 =	simm.s32 $0x14000;
	v3 =	vadd.s32 v1, v3  }
0x25b: {  	[tilespmem:s1], [sflag:$0x4] =	stream.indirect_vreg.gather [hbm4b:s2+s3], $0x80, v4, vm0, $0xb8;
	[tilespmem:$0x1A000] =	vst v63  }
0x25c: {  	s5 =	simm.s32 $0x14800  }
0x25d: {  	[tilespmem:s5], [sflag:$0x4] =	stream.indirect_vreg.gather [hbm4b:s6+s3], $0x80, v4, vm0, $0xb8;
	[tilespmem:$0x1A000] =	vst v63  }
0x25e: {  	s25 =	simm.s32 $0x15000  }
0x25f: {  	[tilespmem:s25], [sflag:$0x4] =	stream.indirect_vreg.gather [hbm4b:s2+s3], $0x80, v3, vm0, $0xb8;
	[tilespmem:$0x1A000] =	vst v63  }
0x260: {  	s7 =	simm.s32 $0x15800  }
0x261: {  	[tilespmem:s7], [sflag:$0x4] =	stream.indirect_vreg.gather [hbm4b:s6+s3], $0x80, v3, vm0, $0xb8;
	[tilespmem:$0x1A000] =	vst v63  }
0x262: {  	v3 =	vld [tilespmem:$0x1F90];
	_ =	sdelay $0x4  }
0x263: {  	v62 =	vshll.u32 v3, $0x2  }
0x264: {  	v3 =	vand.u32 $0x7, v3;
	v4 =	vand.u32 $0xFFFFFFE0, v62  }
0x265: {  	v3 =	vor.u32 v3, v4  }
0x266: {  	v4 =	vperm.xlane v3, v0;
	_ =	sdelay $0x1  }
0x267: {  	v4 =	vadd.s32 v1, v4;
	_ =	sdelay $0x1  }
0x268: {  	v3 =	vperm.xlane v3, v2;
	_ =	sdelay $0x1  }
0x269: {  	s8 =	simm.s32 $0x16000;
	v3 =	vadd.s32 v1, v3  }
0x26a: {  	[tilespmem:s8], [sflag:$0x4] =	stream.indirect_vreg.gather [hbm4b:s2+s3], $0x80, v4, vm0, $0xb8;
	[tilespmem:$0x1A000] =	vst v63  }
0x26b: {  	s9 =	simm.s32 $0x16800  }
0x26c: {  	[tilespmem:s9], [sflag:$0x4] =	stream.indirect_vreg.gather [hbm4b:s6+s3], $0x80, v4, vm0, $0xb8;
	[tilespmem:$0x1A000] =	vst v63  }
0x26d: {  	s10 =	simm.s32 $0x17000  }
0x26e: {  	[tilespmem:s10], [sflag:$0x4] =	stream.indirect_vreg.gather [hbm4b:s2+s3], $0x80, v3, vm0, $0xb8;
	[tilespmem:$0x1A000] =	vst v63  }
0x26f: {  	s11 =	simm.s32 $0x17800  }
0x270: {  	[tilespmem:s11], [sflag:$0x4] =	stream.indirect_vreg.gather [hbm4b:s6+s3], $0x80, v3, vm0, $0xb8;
	[tilespmem:$0x1A000] =	vst v63  }
0x271: {  	v3 =	vld [tilespmem:$0x1FA0];
	_ =	sdelay $0x4  }
0x272: {  	v63 =	vshll.u32 v3, $0x2  }
0x273: {  	v3 =	vand.u32 $0x7, v3;
	v4 =	vand.u32 $0xFFFFFFE0, v63  }
0x274: {  	v3 =	vor.u32 v3, v4  }
0x275: {  	v4 =	vperm.xlane v3, v0;
	_ =	sdelay $0x1  }
0x276: {  	v4 =	vadd.s32 v1, v4;
	_ =	sdelay $0x1  }
0x277: {  	v3 =	vperm.xlane v3, v2;
	_ =	sdelay $0x1  }
0x278: {  	s12 =	simm.s32 $0x18000;
	v3 =	vadd.s32 v1, v3  }
0x279: {  	[tilespmem:s12], [sflag:$0x4] =	stream.indirect_vreg.gather [hbm4b:s2+s3], $0x80, v4, vm0, $0xb8;
	[tilespmem:$0x1A000] =	vst v63  }
0x27a: {  	s14 =	simm.s32 $0x18800  }
0x27b: {  	[tilespmem:s14], [sflag:$0x4] =	stream.indirect_vreg.gather [hbm4b:s6+s3], $0x80, v4, vm0, $0xb8;
	[tilespmem:$0x1A000] =	vst v63  }
0x27c: {  	s16 =	simm.s32 $0x19000  }
0x27d: {  	[tilespmem:s16], [sflag:$0x4] =	stream.indirect_vreg.gather [hbm4b:s2+s3], $0x80, v3, vm0, $0xb8;
	[tilespmem:$0x1A000] =	vst v63  }
0x27e: {  	s21 =	simm.s32 $0x19800  }
0x27f: {  	[tilespmem:s21], [sflag:$0x4] =	stream.indirect_vreg.gather [hbm4b:s6+s3], $0x80, v3, vm0, $0xb8;
	[tilespmem:$0x1A000] =	vst v63  }
0x280: {  	_ =	swait.ge [sflag:s4], $0x6000  }
0x281: {  	[sflag:s4] =	ssyncset.done $0x0  }
0x282: {  	s22 =	rddreg [dreg:$0xc];
	[sflag:s4] =	ssyncadd.s32 $0xFFFFA000  }
0x283: {  	[hbm4b:s22+s3] =	stream.linear.scatter [tilespmem:s0], [sflag:$0x7], $0x6000, $0x38;
	[tilespmem:$0x1A000] =	vst v63  }
0x284: {  	_ =	swait.ge [sflag:s17], $0x6000  }
0x285: {  	[sflag:s17] =	ssyncset.done $0x0  }
0x286: {  	s23 =	rddreg [dreg:$0xd];
	[sflag:s17] =	ssyncadd.s32 $0xFFFFA000  }
0x287: {  	[hbm4b:s23+s3] =	stream.linear.scatter [tilespmem:s1], [sflag:$0x8], $0x6000, $0x38;
	[tilespmem:$0x1A000] =	vst v63  }
0x288: {  	_ =	swait.ge [sflag:s15], $0x6000  }
0x289: {  	[sflag:s15] =	ssyncset.done $0x0  }
0x28a: {  	[sflag:s15] =	ssyncadd.s32 $0xFFFFA000  }
0x28b: {  	_ =	swait.ge [sflag:s18], $0x6000  }
0x28c: {  	[sflag:s18] =	ssyncset.done $0x0  }
0x28d: {  	[sflag:s18] =	ssyncadd.s32 $0xFFFFA000  }
0x28e: {  	_ =	swait.ge [sflag:s19], $0x6000  }
0x28f: {  	[sflag:s19] =	ssyncset.done $0x0  }
0x290: {  	[sflag:s19] =	ssyncadd.s32 $0xFFFFA000  }
0x291: {  	_ =	swait.ge [sflag:s20], $0x6000  }
0x292: {  	s16 =	rddreg [dreg:$0xf]  }
0x293: {  	s30 =	simm.s32 $0x4800;
	s25 =	rddreg [dreg:$0xe];
	s16 =	sadd.s32 $0x1, s16  }
0x294: {  	s31 =	simm.s32 $0xB000;
	s5 =	simm.s32 $0x6000;
	p0 =	sne.s32 s16, s25  }
.Ltmp1:
0x295: {  	s7 =	simm.s32 $0x6800;
	s8 =	simm.s32 $0x7000;
	(pc) =	sbr.rel @p0 .LBB2_1-.Ltmp1, $4  }
0x296: {  	s9 =	simm.s32 $0x7800;
	s10 =	simm.s32 $0x8800;
	s11 =	simm.s32 $0x9000  }
0x297: {  	s12 =	simm.s32 $0x9800;
	s14 =	simm.s32 $0xD000;
	s22 =	simm.s32 $0x3000  }
0x298: {  	s0 =	simm.s32 $0x5000;
	s23 =	simm.s32 $0x3800;
	[sflag:s20] =	ssyncset.done $0x0  }
0x299: {  	s1 =	simm.s32 $0x5800;
	[sflag:s20] =	ssyncadd.s32 $0xFFFFA000;
	s25 =	simm.s32 $0x4000  }
0x29a: {  	_ =	sfence.sel $0x180000  }
0x29b: {  	[bflag:$0x0] =	sbarrier.arrive $0xFFFF  }
0x29c: {  	_ =	strace $0x90000047  }
0x29d: {  	s0 =	stileid.u32;
	[bflag:$0x2] =	sbarrier.arrive $0xFFFF  }
0x29e: {  	p0 =	sne.s32 s0, $0x0;
	s0 =	rddreg [dreg:$0x3]  }
0x29f: {  	s0 =	sadd.s32 @!p0 $0x100000, s0  }
0x2a0: {  	[sflag:s0] =	ssyncadd.tile.s32 @!p0 $0x1;
	_ =	shalt  }
.Lfunc_end2:
_tile_overlayer_lowered:
.L_overlay_start_2:
0x2a1: {  	(tag) =	ssettag $0x2  }
0x2a2: {  	s0 =	rddreg [dreg:$0x0];
	s2 =	stileid.u32  }
0x2a3: {  	s1 =	rddreg [dreg:$0x1];
	p0 =	sne.s32 s2, $0x0  }
0x2a4: {  	s3 =	rddreg [dreg:$0x2];
	[bflag:$0x3] =	sbarrier.arrive $0xFFFF;
	s2 =	simm.s32 @!p0 $0x1C09  }
0x2a5: {  	[timem:s3], [sflag:s2] =	dma.local @!p0 [hbm:s0], s1  }
0x2a6: {  	s0 =	simm.s32 @!p0 $0x9  }
0x2a7: {  	_ =	swait.ge @!p0 [sflag:s0], s1  }
0x2a8: {  	s1 =	ssub.s32 @!p0 $0x0, s1;
	[sflag:s0] =	ssyncset.done @!p0 $0x0  }
0x2a9: {  	[sflag:s0] =	ssyncadd.s32 @!p0 s1  }
0x2aa: {  	[bflag:$0x3] =	sbarrier.arrive $0xFFFF  }
0x2ab: {  	_ =	shalt  }

// kernel: sparse-core-data-format-call.cloned.1.call-start
scs
called_computation_lowered:
.L_overlay_start_0:
0x0: {  	s2 =	sld [smem:$0x3FD9]  }
0x1: {  	s3 =	sld [smem:$0x3FFE];
	_ =	sdelay $0x1  }
0x2: {  	s1 =	srdreg.scid  }
0x3: {  	s0 =	sand.u32 $0x1, s1  }
0x4: {  	s18 =	sshll.u32 s0, $0xA;
	s2 =	sadd.s32 s3, s2  }
0x5: {  	s2 =	sadd.s32 s2, s18  }
0x6: {  	[smem:$0x3FC6] =	sst s2  }
0x7: {  	_ = 	snop  }
0x8: {  	s2 =	sld [smem:$0x3FD0];
	(tm) =	ssettm $0x1  }
0x9: {  	s19 =	sld [smem:$0x3FFB];
	_ =	sdelay $0x3  }
0xa: {  	_ =	strace s19  }
0xb: {  	s3 =	sld [smem:$0x3FFC];
	_ =	sdelay $0x3  }
0xc: {  	_ =	strace s3  }
0xd: {  	s3 =	sld [smem:$0x3FFD];
	_ =	sdelay $0x3  }
0xe: {  	_ =	strace s3  }
0xf: {  	_ =	strace $0x8FFFFFFF  }
0x10: {  	s20 =	sld [smem:$0x3FDB];
	_ =	sdelay $0x1  }
0x11: {  	s4 =	simm.s32 $_scs_section_size  }
0x12: {  	s5 =	simm.s32 $_size__tile_overlayer_lowered;
	s6 =	simm.s32 $_tile_overlayer_lowered  }
0x13: {  	s23 =	simm.s32 $0x1BFF;
	s22 =	sshll.u32 s6, $0x1;
	s3 =	sadd.s32 s4, s20  }
0x14: {  	s7 =	simm.s32 $0x0;
	s21 =	sshll.u32 s5, $0x1;
	s5 =	sadd.s32 s22, s3  }
0x15: {  	[timem:s7], [sflag:s23] =	dma.local [hbm:s5], s21  }
0x16: {  	_ =	swait.ge [sflag:s23], s21  }
0x17: {  	s4 =	ssub.s32 $0x0, s21;
	[sflag:s23] =	ssyncset.done $0x0  }
0x18: {  	[sflag:s23] =	ssyncadd.s32 s4;
	_ =	sdelay $0x1  }
0x19: {  	s24 =	simm.s32 $0x1B8B  }
0x1a: {  	_ =	swait.ge [sflag:s24], $0x1  }
0x1b: {  	[sflag:s24] =	ssyncset.done $0x0  }
0x1c: {  	s26 =	simm.s32 $0x1B8E;
	s25 =	sld [smem:$0x3FFE];
	[sflag:s24] =	ssyncadd.s32 $0xFFFFFFFF  }
0x1d: {  	s27 =	simm.s32 $execute0_lowered;
	[smem:$0x3FD2] =	sst s26  }
0x1e: {  	s5 =	sshll.u32 s27, $0x1;
	_ =	strace $0x80000049;
	[dreg:$0x1] =	wrdreg $0xFFFFFFFF  }
0x1f: {  	s28 =	simm.s32 $_size_execute0_lowered;
	s3 =	sadd.s32 s3, s5;
	[dreg:$0x0] =	wrdreg $0x0  }
0x20: {  	s5 =	sshll.u32 s28, $0x1;
	[dreg:$0x2] =	wrdreg s3  }
0x21: {  	[dreg:$0x3] =	wrdreg s5  }
0x22: {  	[dreg:$0x4] =	wrdreg $0xC0  }
0x23: {  	_ =	task [dreg:s7], $0x5FFFF  }
0x24: {  	[dreg:$0x1] =	wrdreg $0xFFFFFFFF  }
0x25: {  	[dreg:$0x0] =	wrdreg $0x60  }
0x26: {  	[dreg:$0x2] =	wrdreg s25  }
0x27: {  	[dreg:$0x3] =	wrdreg s2  }
0x28: {  	[dreg:$0x4] =	wrdreg $0x9  }
0x29: {  	_ =	task.clear_ibuf [dreg:s7], $0x5FFFF;
	_ =	strace $0x90000049  }
0x2a: {  	s29 =	simm.s32 $0x9;
	_ =	strace $0x8000004B  }
0x2b: {  	_ =	swait.ge [sflag:s29], $0x1  }
0x2c: {  	[sflag:s29] =	ssyncadd.s32 $0xFFFFFFFF  }
0x2d: {  	_ =	strace $0x9000004B  }
0x2e: {  	_ =	sfence  }
0x2f: {  	s30 =	sld [smem:$0x0];
	_ =	sdelay $0x2  }
0x30: {  	s31 =	sshll.u32 s1, $0xD;
	s1 =	sshrl.u32 s1, $0x2  }
0x31: {  	s3 =	sand.u32 $0x4000, s31;
	s1 =	sadd.s32 s1, s30  }
0x32: {  	s0 =	sor.u32 s3, s0;
	s1 =	sshll.u32 s1, $0x11  }
0x33: {  	s0 =	sor.u32 s1, s0  }
0x34: {  	s0 =	sadd.s32 $0x8F2B, s0  }
0x35: {  	[sflag:s0] =	ssyncadd.remote.s32 $0x1  }
0x36: {  	_ =	sfence.sel $0xFFFF  }
0x37: {  	[dreg:$0x0] =	wrdreg $0xFFFFFFFF;
	(pc) =	sbr.abs _section_cstart, $3  }
0x38: {  	[dreg:$0x1] =	wrdreg $0xFFFFFFFF  }
0x39: {  	_ =	task.clear_ibuf [dreg:s7], $0x2FFFF;
	_ =	strace $0x9FFFFFFF  }
0x3a: {  	(tm) =	ssettm $0x7FFFFFFF  }
0x3b: {  	_ =	shalt  }
tec
execute0_lowered:
.L_overlay_start_1:
0x0: {  	(tag) =	ssettag $0x1  }
0x1: {  	s0 =	srdreg.scid  }
0x2: {  	s1 =	sshll.u32 s0, $0x4  }
0x3: {  	s6 =	rddreg [dreg:$0x0];
	s0 =	stileid.u32;
	s1 =	sand.u32 $0x10, s1  }
0x4: {  	s3 =	rddreg [dreg:$0x1];
	s1 =	sor.u32 s0, s1  }
0x5: {  	s5 =	simm.s32 $0x1;
	s31 =	simm.s32 $0x2;
	s2 =	sshll.u32 s1, $0x7  }
0x6: {  	s14 =	simm.s32 $0x0;
	s8 =	simm.s32 $0x1000;
	s4 =	ssub.s32 $0x1000, s2  }
0x7: {  	s9 =	simm.s32 $0x0;
	s15 =	simm.s32 $0x0;
	s30 =	sand.u32 $0xF80, s4  }
0x8: {  	s16 =	simm.s32 $0x0;
	s10 =	simm.s32 $0x0;
	p0 =	sne.s32 s30, $0x0  }
.Ltmp0:
0x9: {  	s7 =	sshrl.u32 s4, $0xC;
	s5 =	simm.s32 @!p0 $0x0;
	(pc) =	sbr.rel .LBB1_1-.Ltmp0, $4  }
0xa: {  	s11 =	simm.s32 $0x0;
	s1 =	rddreg [dreg:$0x2];
	s5 =	sadd.s32 s5, s7  }
0xb: {  	_ =	strace $0x8000004A;
	s4 =	simm.s32 $0x1;
	s5 =	smul.u32 $0x50, s5  }
0xc: {  	s13 =	simm.s32 $0x0;
	s6 =	sadd.s32 $0x800, s6;
	[sflag:s4] =	ssyncpa.u1 $0x0  }
0xd: {  	s12 =	smov.u32 s2;
	[sflag:s31] =	ssyncpa.u1 $0x0;
	s7 =	sor.u32 $0x1, s5  }
.LBB1_4:
0xe: {  	_ =	sdelay $0x3  }
0xf: {  	[tilespmem:v0+s19+$0xFFFFFFD0 ss:$0x1] =	vst.idx.msk $0xffff, v6  }
0x10: {  	v56 =	vld.idx.msk [tilespmem:v1+s18+$0x0 ss:$0x1], $0xffff;
	[tilespmem:v0+s19+$0xFFFFFFE0 ss:$0x1] =	vst.idx.msk $0xffff, v4  }
0x11: {  	v57 =	vld.idx.msk [tilespmem:v1+s18+$0xFFFFFF90 ss:$0x1], $0xffff;
	[tilespmem:v0+s19+$0xFFFFFFF0 ss:$0x1] =	vst.idx.msk $0xffff, v2  }
0x12: {  	v58 =	vld.idx.msk [tilespmem:v1+s18+$0xFFFFFFA0 ss:$0x1], $0xffff;
	[tilespmem:v0+s19+$0x0 ss:$0x1] =	vst.idx.msk $0xffff, v3  }
0x13: {  	v59 =	vld.idx.msk [tilespmem:v1+s18+$0xFFFFFFB0 ss:$0x1], $0xffff;
	[tilespmem:v0+s19+$0x10 ss:$0x1] =	vst.idx.msk $0xffff, v5  }
0x14: {  	v60 =	vld.idx.msk [tilespmem:v1+s18+$0xFFFFFFC0 ss:$0x1], $0xffff;
	[tilespmem:v0+s19+$0x20 ss:$0x1] =	vst.idx.msk $0xffff, v7  }
0x15: {  	v61 =	vld.idx.msk [tilespmem:v1+s18+$0xFFFFFFD0 ss:$0x1], $0xffff;
	s27 =	sshll.u32 s16, $0x9;
	[tilespmem:v0+s18+$0x30 ss:$0x1] =	vst.idx.msk $0xffff, v56  }
0x16: {  	s20 =	sshll.u32 s14, $0x3;
	v62 =	vld.idx.msk [tilespmem:v1+s18+$0xFFFFFFE0 ss:$0x1], $0xffff;
	s28 =	sshll.u32 s16, $0x7;
	s30 =	sand.u32 $0x78, s14;
	[tilespmem:v0+s18+$0xFFFFFFC0 ss:$0x1] =	vst.idx.msk $0xffff, v57  }
0x17: {  	v63 =	vld.idx.msk [tilespmem:v1+s18+$0xFFFFFFF0 ss:$0x1], $0xffff;
	s15 =	sshll.u32 s15, $0x12;
	s19 =	sand.u32 $0x1FF000, s27;
	s20 =	sand.u32 $0x1FFC00, s20;
	[tilespmem:v0+s18+$0xFFFFFFD0 ss:$0x1] =	vst.idx.msk $0xffff, v58  }
0x18: {  	s29 =	sand.u32 $0x200, s28;
	s16 =	sand.u32 $0x180, s28;
	s19 =	sadd.s32 s19, s20;
	[tilespmem:v0+s18+$0xFFFFFFE0 ss:$0x1] =	vst.idx.msk $0xffff, v59  }
0x19: {  	s31 =	sand.u32 $0x7, s14;
	s16 =	sor.u32 s16, s30;
	s19 =	sor.u32 s29, s19;
	[tilespmem:v0+s18+$0xFFFFFFF0 ss:$0x1] =	vst.idx.msk $0xffff, v60  }
0x1a: {  	s15 =	sadd.s32 s3, s15;
	s16 =	sshrl.u32 s16, $0x3;
	s19 =	sshrl.u32 s19, $0x3;
	[tilespmem:v0+s18+$0x0 ss:$0x1] =	vst.idx.msk $0xffff, v61  }
0x1b: {  	s14 =	sshll.u32 s31, $0x12;
	s15 =	sadd.s32 s16, s15;
	[tilespmem:v0+s18+$0x10 ss:$0x1] =	vst.idx.msk $0xffff, v62;
	s19 =	sand.u32 $0x3FFC0, s19  }
0x1c: {  	s14 =	sor.u32 $0x400, s14;
	[tilespmem:v0+s18+$0x20 ss:$0x1] =	vst.idx.msk $0xffff, v63;
	s15 =	sadd.s32 s19, s15  }
0x1d: {  	[hbm4b:s15+s14] =	stream.strided.scatter [tilespmem:s17], [sflag:$0x2], $0x4000, s8, s14, $0x38;
	[tilespmem:$0x10000] =	vst v63  }
.LBB1_5:
0x1e: {  	s17 =	sadd.s32 $0x80, s10  }
0x1f: {  	s14 =	simm.s32 $0x1;
	p1 =	sgt.s32 s17, $0x1FF  }
0x20: {  	s14 =	simm.s32 @!p1 $0x0  }
0x21: {  	s18 =	sadd.s32 s14, s11  }
0x22: {  	s20 =	smov.u32 s12;
	s14 =	sadd.s32 $0x1000, s12;
	p2 =	sgt.s32 s18, $0x13  }
0x23: {  	s20 =	smov.u32 @p2 s14  }
0x24: {  	p0 =	slt.u32 s13, $0x2;
	s17 =	simm.s32 @p1 $0x0;
	p1 =	sgt.s32 s20, $0xFFF  }
0x25: {  	s19 =	simm.s32 @!p0 $0x2;
	s20 =	smov.u32 @p1 s2;
	p1 =	sne.s32 s13, s7  }
.Ltmp1:
0x26: {  	_ =	swait.ge @!p0 [sflag:s19], $0x4000;
	(pc) =	sbr.rel @!p1 .LBB1_6-.Ltmp1, $4  }
0x27: {  	s15 =	smov.u32 s11;
	[sflag:s19] =	ssyncset.done @!p0 $0x0  }
0x28: {  	s16 =	smov.u32 s12;
	s9 =	sadd.s32 $0x4000, s9;
	[sflag:s19] =	ssyncadd.s32 @!p0 $0xFFFFC000  }
0x29: {  	s18 =	simm.s32 @p2 $0x0;
	s14 =	smov.u32 s10;
	s10 =	smov.u32 s17  }
0x2a: {  	s11 =	smov.u32 s18;
	s13 =	sadd.s32 $0x1, s13;
	s12 =	smov.u32 s20  }
.LBB1_1:
0x2b: {  	p0 =	sge.u32 s13, s5  }
0x2c: {  	s17 =	sshll.u32 @!p0 s11, $0x9;
	s18 =	sshll.u32 @!p0 s10, $0x3  }
0x2d: {  	s19 =	sshll.u32 @!p0 s11, $0x7;
	s17 =	sand.u32 @!p0 $0xFFFFF000, s17;
	s18 =	sand.u32 @!p0 $0xFFFFFC00, s18  }
0x2e: {  	s17 =	sadd.s32 @!p0 s17, s18;
	s18 =	sand.u32 @!p0 $0x200, s19  }
0x2f: {  	s17 =	sor.u32 @!p0 s18, s17  }
0x30: {  	s17 =	sshrl.u32 @!p0 s17, $0x9  }
0x31: {  	s31 =	sadd.s32 $0xFFFFFFFF, s13;
	s18 =	smulhi.u32 @!p0 $0xAAAAAAB, s17  }
0x32: {  	s20 =	sxor.u32 @!p0 $0xFFFFFFFF, s13;
	s21 =	sand.u32 @!p0 $0x78, s10;
	s22 =	smul.u32 @!p0 $0x600, s12  }
0x33: {  	s20 =	sshll.u32 @!p0 s20, $0xE;
	s19 =	sand.u32 @!p0 $0x180, s19;
	s18 =	smul.u32 @!p0 $0x18, s18  }
0x34: {  	s20 =	sand.u32 @!p0 $0x4000, s20;
	s19 =	sor.u32 @!p0 s21, s19;
	s21 =	sand.u32 @!p0 $0x7, s10  }
0x35: {  	s17 =	ssub.s32 @!p0 s17, s18;
	s18 =	sshrl.u32 @!p0 s19, $0x3;
	s19 =	sadd.s32 @!p0 s6, s22  }
0x36: {  	s17 =	sshll.u32 @!p0 s17, $0x6;
	s18 =	sadd.s32 @!p0 s18, s19;
	s19 =	sshll.u32 @!p0 s21, $0x12  }
0x37: {  	s17 =	sadd.s32 @!p0 s17, s18;
	s18 =	sor.u32 @!p0 $0x80, s19;
	s19 =	simm.s32 @!p0 $0x3000  }
0x38: {  	[tilespmem:s20], [sflag:$0x1] =	stream.strided.gather @!p0 [hbm4b:s17+s18], $0x4000, s19, s18, $0x38;
	[tilespmem:$0x10000] =	vst v63  }
0x39: {  	p0 =	sge.u32 s31, s5  }
.Ltmp2:
0x3a: {  	_ = 	snop;
	(pc) =	sbr.rel @p0 .LBB1_5-.Ltmp2, $1  }
0x3b: {  	_ =	sdelay $0x3  }
0x3c: {  	s17 =	sand.u32 $0x4000, s9  }
0x3d: {  	s18 =	sor.u32 $0x70, s17  }
0x3e: {  	v1 =	vmov s18;
	_ =	sdelay $0x1  }
0x3f: {  	_ =	swait.ge [sflag:s4], $0x4000  }
0x40: {  	[sflag:s4] =	ssyncset.done $0x0  }
0x41: {  	s19 =	simm.s32 $0x0;
	[sflag:s4] =	ssyncadd.s32 $0xFFFFC000  }
0x42: {  	s17 =	sor.u32 $0x8040, s17;
	v7 =	vld.idx.msk [tilespmem:v1+s19+$0x0 ss:$0x1], $0xffff  }
0x43: {  	v0 =	vmov s17;
	v8 =	vld.idx.msk [tilespmem:v1+s19+$0xFFFFFF90 ss:$0x1], $0xffff  }
0x44: {  	v6 =	vld.idx.msk [tilespmem:v1+s19+$0xFFFFFFA0 ss:$0x1], $0xffff  }
0x45: {  	v4 =	vld.idx.msk [tilespmem:v1+s19+$0xFFFFFFB0 ss:$0x1], $0xffff  }
0x46: {  	v2 =	vld.idx.msk [tilespmem:v1+s19+$0xFFFFFFC0 ss:$0x1], $0xffff  }
0x47: {  	s31 =	sshll.u32 s13, $0xE;
	v3 =	vld.idx.msk [tilespmem:v1+s19+$0xFFFFFFD0 ss:$0x1], $0xffff  }
0x48: {  	s17 =	sand.u32 $0x4000, s31;
	v5 =	vld.idx.msk [tilespmem:v1+s19+$0xFFFFFFE0 ss:$0x1], $0xffff;
	[tilespmem:v0+s19+$0x30 ss:$0x1] =	vst.idx.msk $0xffff, v7  }
0x49: {  	s20 =	simm.s32 $0x400;
	s18 =	simm.s32 $0x80;
	s17 =	sor.u32 $0x8000, s17;
	[tilespmem:v0+s19+$0xFFFFFFC0 ss:$0x1] =	vst.idx.msk $0xffff, v8;
	v7 =	vld.idx.msk [tilespmem:v1+s19+$0xFFFFFFF0 ss:$0x1], $0xffff  }
.LBB1_3:
0x4a: {  	p0 =	sne.s32 s20, $0xFE00;
	v8 =	vld.idx.msk [tilespmem:v1+s18+$0x0 ss:$0x1], $0xffff;
	[tilespmem:v0+s19+$0xFFFFFFD0 ss:$0x1] =	vst.idx.msk $0xffff, v6  }
0x4b: {  	v9 =	vld.idx.msk [tilespmem:v1+s18+$0xFFFFFF90 ss:$0x1], $0xffff;
	[tilespmem:v0+s19+$0xFFFFFFE0 ss:$0x1] =	vst.idx.msk $0xffff, v4  }
0x4c: {  	v6 =	vld.idx.msk [tilespmem:v1+s18+$0xFFFFFFA0 ss:$0x1], $0xffff;
	[tilespmem:v0+s19+$0xFFFFFFF0 ss:$0x1] =	vst.idx.msk $0xffff, v2  }
.Ltmp3:
0x4d: {  	v4 =	vld.idx.msk [tilespmem:v1+s18+$0xFFFFFFB0 ss:$0x1], $0xffff;
	[tilespmem:v0+s19+$0x0 ss:$0x1] =	vst.idx.msk $0xffff, v3;
	(pc) =	sbr.rel @p0 .LBB1_3-.Ltmp3, $4  }
0x4e: {  	v2 =	vld.idx.msk [tilespmem:v1+s18+$0xFFFFFFC0 ss:$0x1], $0xffff;
	[tilespmem:v0+s19+$0x10 ss:$0x1] =	vst.idx.msk $0xffff, v5  }
0x4f: {  	v3 =	vld.idx.msk [tilespmem:v1+s18+$0xFFFFFFD0 ss:$0x1], $0xffff;
	[tilespmem:v0+s19+$0x20 ss:$0x1] =	vst.idx.msk $0xffff, v7;
	s19 =	smov.u32 s18  }
0x50: {  	v5 =	vld.idx.msk [tilespmem:v1+s19+$0xFFFFFFE0 ss:$0x1], $0xffff;
	[tilespmem:v0+s19+$0x30 ss:$0x1] =	vst.idx.msk $0xffff, v8  }
0x51: {  	s18 =	sshra.s32 s20, $0x2;
	s20 =	sadd.s32 $0x200, s20;
	[tilespmem:v0+s19+$0xFFFFFFC0 ss:$0x1] =	vst.idx.msk $0xffff, v9;
	v7 =	vld.idx.msk [tilespmem:v1+s19+$0xFFFFFFF0 ss:$0x1], $0xffff  }
.Ltmp4:
0x52: {  	_ = 	snop;
	(pc) =	sbr.rel .LBB1_4-.Ltmp4, $1  }
0x53: {  	_ =	sdelay $0x3  }
.LBB1_6:
0x54: {  	_ =	sfence.sel $0x180000  }
0x55: {  	s2 =	simm.s32 $0x1;
	[bflag:$0x0] =	sbarrier.arrive $0xFFFF  }
0x56: {  	s31 =	simm.s32 $0x2;
	[sflag:s2] =	ssyncpa.u1 $0x1  }
0x57: {  	[sflag:s31] =	ssyncpa.u1 $0x1  }
0x58: {  	p0 =	sne.s32 s0, $0x0;
	_ =	strace $0x9000004A  }
0x59: {  	s0 =	sadd.s32 @!p0 $0x100000, s1;
	[bflag:$0x2] =	sbarrier.arrive $0xFFFF  }
0x5a: {  	[sflag:s0] =	ssyncadd.tile.s32 @!p0 $0x1;
	_ =	shalt  }
.Lfunc_end1:
_tile_overlayer_lowered:
.L_overlay_start_2:
0x5b: {  	(tag) =	ssettag $0x2  }
0x5c: {  	s0 =	rddreg [dreg:$0x0];
	s2 =	stileid.u32  }
0x5d: {  	s1 =	rddreg [dreg:$0x1];
	p0 =	sne.s32 s2, $0x0  }
0x5e: {  	s3 =	rddreg [dreg:$0x2];
	[bflag:$0x3] =	sbarrier.arrive $0xFFFF;
	s2 =	simm.s32 @!p0 $0x1C01  }
0x5f: {  	[timem:s3], [sflag:s2] =	dma.local @!p0 [hbm:s0], s1  }
0x60: {  	s0 =	simm.s32 @!p0 $0x1  }
0x61: {  	_ =	swait.ge @!p0 [sflag:s0], s1  }
0x62: {  	s1 =	ssub.s32 @!p0 $0x0, s1;
	[sflag:s0] =	ssyncset.done @!p0 $0x0  }
0x63: {  	[sflag:s0] =	ssyncadd.s32 @!p0 s1  }
0x64: {  	[bflag:$0x3] =	sbarrier.arrive $0xFFFF  }
0x65: {  	_ =	shalt  }

</sc_bundles>
